<compile_context>
chip_gen: v7x
topology: tpu7x:2x2x1
jax: 0.10.2.dev20260603
libtpu: 0.0.44.dev20260713+nightly
codegen_flags: <defaults>
</compile_context>

<pallas_src>
import functools

import jax
import jax.numpy as jnp
from jax import lax
from jax.experimental import pallas as pl
from jax.experimental.pallas import tpu as pltpu
from jax.experimental.pallas import tpu_sc as plsc

B, S, D = 4, 4096, 2048
ROWS = B * S
NC, NS = 2, 16
NW = NC * NS
LANES = 16
GROUP = 16
NV = D // LANES

SC_ROWS = 1024
TC_ROWS = ROWS - SC_ROWS
ROWS_W = SC_ROWS // NW
NGROUP = ROWS_W // GROUP

BLK = 256
CH = 256

_mesh = plsc.VectorSubcoreMesh(core_axis_name="c", subcore_axis_name="s")


@functools.partial(
    pl.kernel,
    mesh=_mesh,
    out_type=jax.ShapeDtypeStruct((SC_ROWS, D), jnp.float32),
    scratch_types=[
        pltpu.VMEM((GROUP, D), jnp.float32),
        pltpu.VMEM((GROUP, D), jnp.float32),
        pltpu.SemaphoreType.DMA,
        pltpu.SemaphoreType.DMA,
        pltpu.SemaphoreType.DMA,
        pltpu.SemaphoreType.DMA,
    ],
    compiler_params=pltpu.CompilerParams(needs_layout_passes=False),
)
def _cumsum_rows_sc(x_hbm, out_hbm, buf0, buf1, isem0, isem1, osem0, osem1):
    wid = lax.axis_index("s") * NC + lax.axis_index("c")
    base = wid * ROWS_W
    bufs = (buf0, buf1)
    isems = (isem0, isem1)
    osems = (osem0, osem1)

    def in_copy(g, s):
        return pltpu.make_async_copy(
            x_hbm.at[pl.ds(base + g * GROUP, GROUP)], bufs[s], isems[s])

    def out_copy(g, s):
        return pltpu.make_async_copy(
            bufs[s], out_hbm.at[pl.ds(base + g * GROUP, GROUP)], osems[s])

    lane0 = lax.iota(jnp.int32, LANES) == 0

    def compute(buf):
        def step(i, carries):
            off = i * LANES
            new = []
            for r in range(GROUP):
                v = buf[r, pl.ds(off, LANES)]
                s = plsc.cumsum(v)
                total = plsc.cumsum(lax.rev(s, (0,)), mask=lane0)
                buf[r, pl.ds(off, LANES)] = s + carries[r]
                new.append(carries[r] + total)
            return tuple(new)

        lax.fori_loop(
            0, NV, step,
            tuple(jnp.zeros((LANES,), jnp.float32) for _ in range(GROUP)))

    in_copy(0, 0).start()
    in_copy(1, 1).start()

    def gbody(gg, carry):
        for s in range(2):
            g = gg * 2 + s

            in_copy(g, s).wait()

            @pl.when(gg > 0)
            def _():
                out_copy(g - 2, s).wait()

            compute(bufs[s])
            out_copy(g, s).start()

            @pl.when(g + 2 < NGROUP)
            def _():
                in_copy(g + 2, s).start()
        return carry

    lax.fori_loop(0, NGROUP // 2, gbody, 0)
    out_copy(NGROUP - 2, 0).wait()
    out_copy(NGROUP - 1, 1).wait()


def _tc_body(x_ref, tri_ref, o_ref):
    tri = tri_ref[...]
    carry = jnp.zeros((BLK, 1), jnp.float32)
    for c in range(D // CH):
        xc = x_ref[:, c * CH:(c + 1) * CH]
        sc = lax.dot_general(xc, tri, (((1,), (0,)), ((), ())),
                             preferred_element_type=jnp.float32)
        oc = sc + carry
        o_ref[:, c * CH:(c + 1) * CH] = oc
        carry = oc[:, CH - 1:CH]


_cumsum_rows_tc = pl.pallas_call(
    _tc_body,
    grid=(TC_ROWS // BLK,),
    in_specs=[
        pl.BlockSpec((BLK, D), lambda i: (i + SC_ROWS // BLK, 0)),
        pl.BlockSpec((CH, CH), lambda i: (0, 0)),
    ],
    out_specs=pl.BlockSpec((BLK, D), lambda i: (i + SC_ROWS // BLK, 0)),
    out_shape=jax.ShapeDtypeStruct((ROWS, D), jnp.float32),
)


def kernel(x):
    xf = x.reshape(ROWS, D)
    tri = jnp.triu(jnp.ones((CH, CH), jnp.float32))
    sc_out = _cumsum_rows_sc(xf)
    tc_full = _cumsum_rows_tc(xf, tri)
    out = lax.dynamic_update_slice(tc_full, sc_out, (0, 0))
    return out.reshape(B, S, D)

# --- scband reference (transcript-rebuilt; emitter-appended) ---
"""Pipeline reference for scband-cumsum-19851338842130 (READ-ONLY COPY).

The authoritative reference and input builder live on the scoring server;
editing this copy changes nothing except your own understanding.
"""

import jax, jax.numpy as jnp
import numpy as np

def setup_inputs(seed: int = 0) -> dict:
    key = jax.random.key(seed)
    x = jax.random.normal(key, (4, 4096, 2048), dtype=jnp.float32)
    return {"x": x}

def reference(x):
    return jnp.cumsum(x, axis=-1)

if __name__ == "__main__":
    import jax
    _d = setup_inputs()
    print(jax.jit(kernel)(*tuple(_d.values())))

</pallas_src>

<mosaic_0001>
#map = affine_map<(d0, d1) -> (0, 0)>
module attributes {stable_mosaic.version = 14 : i64} {
  func.func @_cumsum_rows_sc(%arg0: i32, %arg1: i32, %arg2: memref<16384x2048xf32, #tpu.memory_space<hbm>>, %arg3: memref<1024x2048xf32, #tpu.memory_space<hbm>>, %arg4: memref<16x2048xf32, #tpu.memory_space<vmem>>, %arg5: memref<16x2048xf32, #tpu.memory_space<vmem>>, %arg6: memref<!tpu.dma_semaphore, #tpu.memory_space<semaphore_mem>>, %arg7: memref<!tpu.dma_semaphore, #tpu.memory_space<semaphore_mem>>, %arg8: memref<!tpu.dma_semaphore, #tpu.memory_space<semaphore_mem>>, %arg9: memref<!tpu.dma_semaphore, #tpu.memory_space<semaphore_mem>>) attributes {dimension_semantics = [#tpu.dimension_semantics<core_parallel>, #tpu.dimension_semantics<subcore_parallel>], iteration_bounds = array<i64: 2, 16>, scalar_prefetch = 0 : i64, scratch_operands = 6 : i64, tpu.core_type = #tpu.core_type<sc_vector_subcore>, window_params = [{transform_indices = #map}, {transform_indices = #map}]} {
    %mul3A = arith.constant 2 : i32
    %mul3A_0 = arith.muli %arg1, %mul3A : i32
    %add3A = arith.addi %mul3A_0, %arg0 : i32
    %mul3A_1 = arith.constant 32 : i32
    %mul3A_2 = arith.muli %add3A, %mul3A_1 : i32
    %iota3A = tpu.iota {dimensions = array<i32: 0>} : vector<16xi32>
    %eq3A = arith.constant 0 : i32
    %eq3A_3 = vector.broadcast %eq3A : i32 to vector<16xi32>
    %eq3A_4 = arith.cmpi eq, %iota3A, %eq3A_3 : vector<16xi32>
    %add3A_5 = arith.constant 0 : i32
    %add3A_6 = arith.addi %mul3A_2, %add3A_5 : i32
    %dma_start3A = arith.constant 0 : i32
    %dma_start3A_7 = tpu.memref_slice %arg2[%add3A_6, %dma_start3A] : memref<16384x2048xf32, #tpu.memory_space<hbm>> -> memref<16x2048xf32, #tpu.memory_space<hbm>>
    %dma_start3A_8 = arith.constant 0 : i32
    %dma_start3A_9 = tpu.memref_slice %arg2[%add3A_6, %dma_start3A_8] : memref<16384x2048xf32, #tpu.memory_space<hbm>> -> memref<16x2048xf32, #tpu.memory_space<hbm>>
    tpu.enqueue_dma source(%dma_start3A_9 : memref<16x2048xf32, #tpu.memory_space<hbm>>) target(%arg4 : memref<16x2048xf32, #tpu.memory_space<vmem>>) target_semaphore(%arg6 : memref<!tpu.dma_semaphore, #tpu.memory_space<semaphore_mem>>)
    %add3A_10 = arith.constant 16 : i32
    %add3A_11 = arith.addi %mul3A_2, %add3A_10 : i32
    %dma_start3A_12 = arith.constant 0 : i32
    %dma_start3A_13 = tpu.memref_slice %arg2[%add3A_11, %dma_start3A_12] : memref<16384x2048xf32, #tpu.memory_space<hbm>> -> memref<16x2048xf32, #tpu.memory_space<hbm>>
    %dma_start3A_14 = arith.constant 0 : i32
    %dma_start3A_15 = tpu.memref_slice %arg2[%add3A_11, %dma_start3A_14] : memref<16384x2048xf32, #tpu.memory_space<hbm>> -> memref<16x2048xf32, #tpu.memory_space<hbm>>
    tpu.enqueue_dma source(%dma_start3A_15 : memref<16x2048xf32, #tpu.memory_space<hbm>>) target(%arg5 : memref<16x2048xf32, #tpu.memory_space<vmem>>) target_semaphore(%arg7 : memref<!tpu.dma_semaphore, #tpu.memory_space<semaphore_mem>>)
    %scan3A = arith.constant 0 : i32
    %scan3A_16 = arith.constant 0 : i32
    %mul3A_17 = arith.constant 2 : i32
    %mul3A_18 = arith.muli %scan3A_16, %mul3A_17 : i32
    %add3A_19 = arith.constant 0 : i32
    %add3A_20 = arith.addi %mul3A_18, %add3A_19 : i32
    %mul3A_21 = arith.constant 16 : i32
    %mul3A_22 = arith.muli %add3A_20, %mul3A_21 : i32
    %add3A_23 = arith.addi %mul3A_2, %mul3A_22 : i32
    %dma_wait3A = arith.constant 0 : i32
    %dma_wait3A_24 = tpu.memref_slice %arg2[%add3A_23, %dma_wait3A] : memref<16384x2048xf32, #tpu.memory_space<hbm>> -> memref<16x2048xf32, #tpu.memory_space<hbm>>
    %dma_wait3A_25 = arith.constant 0 : i32
    %dma_wait3A_26 = tpu.memref_slice %arg2[%add3A_23, %dma_wait3A_25] : memref<16384x2048xf32, #tpu.memory_space<hbm>> -> memref<16x2048xf32, #tpu.memory_space<hbm>>
    tpu.wait_dma2 semaphore(%arg6 : memref<!tpu.dma_semaphore, #tpu.memory_space<semaphore_mem>>) src(%dma_wait3A_26 : memref<16x2048xf32, #tpu.memory_space<hbm>>) dst(%arg4 : memref<16x2048xf32, #tpu.memory_space<vmem>>)
    %gt3A = arith.constant 0 : i32
    %gt3A_27 = arith.cmpi sgt, %scan3A_16, %gt3A : i32
    %convert_element_type3A = arith.extui %gt3A_27 : i1 to i32
    %cond3A = arith.constant 0 : i32
    %cond3A_28 = arith.cmpi ne, %convert_element_type3A, %cond3A : i32
    scf.if %cond3A_28 {
      %sub3A = arith.constant 2 : i32
      %sub3A_160 = arith.subi %add3A_20, %sub3A : i32
      %mul3A_161 = arith.constant 16 : i32
      %mul3A_162 = arith.muli %sub3A_160, %mul3A_161 : i32
      %add3A_163 = arith.addi %mul3A_2, %mul3A_162 : i32
      %dma_wait3A_164 = arith.constant 0 : i32
      %dma_wait3A_165 = tpu.memref_slice %arg3[%add3A_163, %dma_wait3A_164] : memref<1024x2048xf32, #tpu.memory_space<hbm>> -> memref<16x2048xf32, #tpu.memory_space<hbm>>
      %dma_wait3A_166 = arith.constant 0 : i32
      %dma_wait3A_167 = tpu.memref_slice %arg3[%add3A_163, %dma_wait3A_166] : memref<1024x2048xf32, #tpu.memory_space<hbm>> -> memref<16x2048xf32, #tpu.memory_space<hbm>>
      tpu.wait_dma2 semaphore(%arg8 : memref<!tpu.dma_semaphore, #tpu.memory_space<semaphore_mem>>) src(%arg4 : memref<16x2048xf32, #tpu.memory_space<vmem>>) dst(%dma_wait3A_167 : memref<16x2048xf32, #tpu.memory_space<hbm>>)
    } else {
    }
    %broadcast_in_dim3A = arith.constant 0.000000e+00 : f32
    %broadcast_in_dim3A_29 = vector.broadcast %broadcast_in_dim3A : f32 to vector<16xf32>
    %broadcast_in_dim3A_30 = arith.constant 0.000000e+00 : f32
    %broadcast_in_dim3A_31 = vector.broadcast %broadcast_in_dim3A_30 : f32 to vector<16xf32>
    %broadcast_in_dim3A_32 = arith.constant 0.000000e+00 : f32
    %broadcast_in_dim3A_33 = vector.broadcast %broadcast_in_dim3A_32 : f32 to vector<16xf32>
    %broadcast_in_dim3A_34 = arith.constant 0.000000e+00 : f32
    %broadcast_in_dim3A_35 = vector.broadcast %broadcast_in_dim3A_34 : f32 to vector<16xf32>
    %broadcast_in_dim3A_36 = arith.constant 0.000000e+00 : f32
    %broadcast_in_dim3A_37 = vector.broadcast %broadcast_in_dim3A_36 : f32 to vector<16xf32>
    %broadcast_in_dim3A_38 = arith.constant 0.000000e+00 : f32
    %broadcast_in_dim3A_39 = vector.broadcast %broadcast_in_dim3A_38 : f32 to vector<16xf32>
    %broadcast_in_dim3A_40 = arith.constant 0.000000e+00 : f32
    %broadcast_in_dim3A_41 = vector.broadcast %broadcast_in_dim3A_40 : f32 to vector<16xf32>
    %broadcast_in_dim3A_42 = arith.constant 0.000000e+00 : f32
    %broadcast_in_dim3A_43 = vector.broadcast %broadcast_in_dim3A_42 : f32 to vector<16xf32>
    %broadcast_in_dim3A_44 = arith.constant 0.000000e+00 : f32
    %broadcast_in_dim3A_45 = vector.broadcast %broadcast_in_dim3A_44 : f32 to vector<16xf32>
    %broadcast_in_dim3A_46 = arith.constant 0.000000e+00 : f32
    %broadcast_in_dim3A_47 = vector.broadcast %broadcast_in_dim3A_46 : f32 to vector<16xf32>
    %broadcast_in_dim3A_48 = arith.constant 0.000000e+00 : f32
    %broadcast_in_dim3A_49 = vector.broadcast %broadcast_in_dim3A_48 : f32 to vector<16xf32>
    %broadcast_in_dim3A_50 = arith.constant 0.000000e+00 : f32
    %broadcast_in_dim3A_51 = vector.broadcast %broadcast_in_dim3A_50 : f32 to vector<16xf32>
    %broadcast_in_dim3A_52 = arith.constant 0.000000e+00 : f32
    %broadcast_in_dim3A_53 = vector.broadcast %broadcast_in_dim3A_52 : f32 to vector<16xf32>
    %broadcast_in_dim3A_54 = arith.constant 0.000000e+00 : f32
    %broadcast_in_dim3A_55 = vector.broadcast %broadcast_in_dim3A_54 : f32 to vector<16xf32>
    %broadcast_in_dim3A_56 = arith.constant 0.000000e+00 : f32
    %broadcast_in_dim3A_57 = vector.broadcast %broadcast_in_dim3A_56 : f32 to vector<16xf32>
    %broadcast_in_dim3A_58 = arith.constant 0.000000e+00 : f32
    %broadcast_in_dim3A_59 = vector.broadcast %broadcast_in_dim3A_58 : f32 to vector<16xf32>
    %scan3A_60 = arith.constant 0 : i32
    %scan3A_61 = arith.constant 128 : i32
    %scan3A_62 = arith.addi %scan3A_60, %scan3A_61 : i32
    %scan3A_63 = arith.constant 1 : i32
    %scan3A_64:16 = scf.for %scan3A_160 = %scan3A_60 to %scan3A_62 step %scan3A_63 iter_args(%scan3A_161 = %broadcast_in_dim3A_29, %scan3A_162 = %broadcast_in_dim3A_31, %scan3A_163 = %broadcast_in_dim3A_33, %scan3A_164 = %broadcast_in_dim3A_35, %scan3A_165 = %broadcast_in_dim3A_37, %scan3A_166 = %broadcast_in_dim3A_39, %scan3A_167 = %broadcast_in_dim3A_41, %scan3A_168 = %broadcast_in_dim3A_43, %scan3A_169 = %broadcast_in_dim3A_45, %scan3A_170 = %broadcast_in_dim3A_47, %scan3A_171 = %broadcast_in_dim3A_49, %scan3A_172 = %broadcast_in_dim3A_51, %scan3A_173 = %broadcast_in_dim3A_53, %scan3A_174 = %broadcast_in_dim3A_55, %scan3A_175 = %broadcast_in_dim3A_57, %scan3A_176 = %broadcast_in_dim3A_59) -> (vector<16xf32>, vector<16xf32>, vector<16xf32>, vector<16xf32>, vector<16xf32>, vector<16xf32>, vector<16xf32>, vector<16xf32>, vector<16xf32>, vector<16xf32>, vector<16xf32>, vector<16xf32>, vector<16xf32>, vector<16xf32>, vector<16xf32>, vector<16xf32>)  : i32 {
      %mul3A_177 = arith.constant 16 : i32
      %mul3A_178 = arith.muli %scan3A_160, %mul3A_177 : i32
      %get3A = arith.constant 0 : i32
      %get3A_179 = arith.index_cast %get3A : i32 to index
      %get3A_180 = arith.index_cast %mul3A_178 : i32 to index
      %get3A_181 = tpu.vector_load %arg4[%get3A_179, %get3A_180] {strides = array<i32>} : memref<16x2048xf32, #tpu.memory_space<vmem>>, vector<16xf32>,
      %broadcast_in_dim3A_182 = arith.constant true
      %broadcast_in_dim3A_183 = vector.broadcast %broadcast_in_dim3A_182 : i1 to vector<16xi1>
      %masked_cumsum3A = tpu.scan <sum>, %get3A_181 masked %broadcast_in_dim3A_183 : vector<16xf32>, vector<16xi1> -> vector<16xf32>
      %rev3A = arith.constant 15 : i32
      %rev3A_184 = vector.broadcast %rev3A : i32 to vector<16xi32>
      %rev3A_185 = tpu.iota {dimensions = array<i32: 0>} : vector<16xi32>
      %rev3A_186 = arith.subi %rev3A_184, %rev3A_185 : vector<16xi32>
      %rev3A_187 = tpu.dynamic_gather %masked_cumsum3A[%rev3A_186] in [0] : vector<16xf32>, vector<16xi32> -> vector<16xf32>
      %masked_cumsum3A_188 = tpu.scan <sum>, %rev3A_187 masked %eq3A_4 : vector<16xf32>, vector<16xi1> -> vector<16xf32>
      %add3A_189 = arith.addf %masked_cumsum3A, %scan3A_161 : vector<16xf32>
      %swap3A = arith.constant 0 : i32
      %swap3A_190 = arith.index_cast %swap3A : i32 to index
      %swap3A_191 = arith.index_cast %mul3A_178 : i32 to index
      %swap3A_192 = tpu.vector_load %arg4[%swap3A_190, %swap3A_191] {strides = array<i32>} : memref<16x2048xf32, #tpu.memory_space<vmem>>, vector<16xf32>,
      tpu.vector_store %arg4[%swap3A_190, %swap3A_191], %add3A_189 {strides = array<i32>} : memref<16x2048xf32, #tpu.memory_space<vmem>>, vector<16xf32>,
      %add3A_193 = arith.addf %scan3A_161, %masked_cumsum3A_188 : vector<16xf32>
      %get3A_194 = arith.constant 1 : i32
      %get3A_195 = arith.index_cast %get3A_194 : i32 to index
      %get3A_196 = arith.index_cast %mul3A_178 : i32 to index
      %get3A_197 = tpu.vector_load %arg4[%get3A_195, %get3A_196] {strides = array<i32>} : memref<16x2048xf32, #tpu.memory_space<vmem>>, vector<16xf32>,
      %broadcast_in_dim3A_198 = arith.constant true
      %broadcast_in_dim3A_199 = vector.broadcast %broadcast_in_dim3A_198 : i1 to vector<16xi1>
      %masked_cumsum3A_200 = tpu.scan <sum>, %get3A_197 masked %broadcast_in_dim3A_199 : vector<16xf32>, vector<16xi1> -> vector<16xf32>
      %rev3A_201 = arith.constant 15 : i32
      %rev3A_202 = vector.broadcast %rev3A_201 : i32 to vector<16xi32>
      %rev3A_203 = tpu.iota {dimensions = array<i32: 0>} : vector<16xi32>
      %rev3A_204 = arith.subi %rev3A_202, %rev3A_203 : vector<16xi32>
      %rev3A_205 = tpu.dynamic_gather %masked_cumsum3A_200[%rev3A_204] in [0] : vector<16xf32>, vector<16xi32> -> vector<16xf32>
      %masked_cumsum3A_206 = tpu.scan <sum>, %rev3A_205 masked %eq3A_4 : vector<16xf32>, vector<16xi1> -> vector<16xf32>
      %add3A_207 = arith.addf %masked_cumsum3A_200, %scan3A_162 : vector<16xf32>
      %swap3A_208 = arith.constant 1 : i32
      %swap3A_209 = arith.index_cast %swap3A_208 : i32 to index
      %swap3A_210 = arith.index_cast %mul3A_178 : i32 to index
      %swap3A_211 = tpu.vector_load %arg4[%swap3A_209, %swap3A_210] {strides = array<i32>} : memref<16x2048xf32, #tpu.memory_space<vmem>>, vector<16xf32>,
      tpu.vector_store %arg4[%swap3A_209, %swap3A_210], %add3A_207 {strides = array<i32>} : memref<16x2048xf32, #tpu.memory_space<vmem>>, vector<16xf32>,
      %add3A_212 = arith.addf %scan3A_162, %masked_cumsum3A_206 : vector<16xf32>
      %get3A_213 = arith.constant 2 : i32
      %get3A_214 = arith.index_cast %get3A_213 : i32 to index
      %get3A_215 = arith.index_cast %mul3A_178 : i32 to index
      %get3A_216 = tpu.vector_load %arg4[%get3A_214, %get3A_215] {strides = array<i32>} : memref<16x2048xf32, #tpu.memory_space<vmem>>, vector<16xf32>,
      %broadcast_in_dim3A_217 = arith.constant true
      %broadcast_in_dim3A_218 = vector.broadcast %broadcast_in_dim3A_217 : i1 to vector<16xi1>
      %masked_cumsum3A_219 = tpu.scan <sum>, %get3A_216 masked %broadcast_in_dim3A_218 : vector<16xf32>, vector<16xi1> -> vector<16xf32>
      %rev3A_220 = arith.constant 15 : i32
      %rev3A_221 = vector.broadcast %rev3A_220 : i32 to vector<16xi32>
      %rev3A_222 = tpu.iota {dimensions = array<i32: 0>} : vector<16xi32>
      %rev3A_223 = arith.subi %rev3A_221, %rev3A_222 : vector<16xi32>
      %rev3A_224 = tpu.dynamic_gather %masked_cumsum3A_219[%rev3A_223] in [0] : vector<16xf32>, vector<16xi32> -> vector<16xf32>
      %masked_cumsum3A_225 = tpu.scan <sum>, %rev3A_224 masked %eq3A_4 : vector<16xf32>, vector<16xi1> -> vector<16xf32>
      %add3A_226 = arith.addf %masked_cumsum3A_219, %scan3A_163 : vector<16xf32>
      %swap3A_227 = arith.constant 2 : i32
      %swap3A_228 = arith.index_cast %swap3A_227 : i32 to index
      %swap3A_229 = arith.index_cast %mul3A_178 : i32 to index
      %swap3A_230 = tpu.vector_load %arg4[%swap3A_228, %swap3A_229] {strides = array<i32>} : memref<16x2048xf32, #tpu.memory_space<vmem>>, vector<16xf32>,
      tpu.vector_store %arg4[%swap3A_228, %swap3A_229], %add3A_226 {strides = array<i32>} : memref<16x2048xf32, #tpu.memory_space<vmem>>, vector<16xf32>,
      %add3A_231 = arith.addf %scan3A_163, %masked_cumsum3A_225 : vector<16xf32>
      %get3A_232 = arith.constant 3 : i32
      %get3A_233 = arith.index_cast %get3A_232 : i32 to index
      %get3A_234 = arith.index_cast %mul3A_178 : i32 to index
      %get3A_235 = tpu.vector_load %arg4[%get3A_233, %get3A_234] {strides = array<i32>} : memref<16x2048xf32, #tpu.memory_space<vmem>>, vector<16xf32>,
      %broadcast_in_dim3A_236 = arith.constant true
      %broadcast_in_dim3A_237 = vector.broadcast %broadcast_in_dim3A_236 : i1 to vector<16xi1>
      %masked_cumsum3A_238 = tpu.scan <sum>, %get3A_235 masked %broadcast_in_dim3A_237 : vector<16xf32>, vector<16xi1> -> vector<16xf32>
      %rev3A_239 = arith.constant 15 : i32
      %rev3A_240 = vector.broadcast %rev3A_239 : i32 to vector<16xi32>
      %rev3A_241 = tpu.iota {dimensions = array<i32: 0>} : vector<16xi32>
      %rev3A_242 = arith.subi %rev3A_240, %rev3A_241 : vector<16xi32>
      %rev3A_243 = tpu.dynamic_gather %masked_cumsum3A_238[%rev3A_242] in [0] : vector<16xf32>, vector<16xi32> -> vector<16xf32>
      %masked_cumsum3A_244 = tpu.scan <sum>, %rev3A_243 masked %eq3A_4 : vector<16xf32>, vector<16xi1> -> vector<16xf32>
      %add3A_245 = arith.addf %masked_cumsum3A_238, %scan3A_164 : vector<16xf32>
      %swap3A_246 = arith.constant 3 : i32
      %swap3A_247 = arith.index_cast %swap3A_246 : i32 to index
      %swap3A_248 = arith.index_cast %mul3A_178 : i32 to index
      %swap3A_249 = tpu.vector_load %arg4[%swap3A_247, %swap3A_248] {strides = array<i32>} : memref<16x2048xf32, #tpu.memory_space<vmem>>, vector<16xf32>,
      tpu.vector_store %arg4[%swap3A_247, %swap3A_248], %add3A_245 {strides = array<i32>} : memref<16x2048xf32, #tpu.memory_space<vmem>>, vector<16xf32>,
      %add3A_250 = arith.addf %scan3A_164, %masked_cumsum3A_244 : vector<16xf32>
      %get3A_251 = arith.constant 4 : i32
      %get3A_252 = arith.index_cast %get3A_251 : i32 to index
      %get3A_253 = arith.index_cast %mul3A_178 : i32 to index
      %get3A_254 = tpu.vector_load %arg4[%get3A_252, %get3A_253] {strides = array<i32>} : memref<16x2048xf32, #tpu.memory_space<vmem>>, vector<16xf32>,
      %broadcast_in_dim3A_255 = arith.constant true
      %broadcast_in_dim3A_256 = vector.broadcast %broadcast_in_dim3A_255 : i1 to vector<16xi1>
      %masked_cumsum3A_257 = tpu.scan <sum>, %get3A_254 masked %broadcast_in_dim3A_256 : vector<16xf32>, vector<16xi1> -> vector<16xf32>
      %rev3A_258 = arith.constant 15 : i32
      %rev3A_259 = vector.broadcast %rev3A_258 : i32 to vector<16xi32>
      %rev3A_260 = tpu.iota {dimensions = array<i32: 0>} : vector<16xi32>
      %rev3A_261 = arith.subi %rev3A_259, %rev3A_260 : vector<16xi32>
      %rev3A_262 = tpu.dynamic_gather %masked_cumsum3A_257[%rev3A_261] in [0] : vector<16xf32>, vector<16xi32> -> vector<16xf32>
      %masked_cumsum3A_263 = tpu.scan <sum>, %rev3A_262 masked %eq3A_4 : vector<16xf32>, vector<16xi1> -> vector<16xf32>
      %add3A_264 = arith.addf %masked_cumsum3A_257, %scan3A_165 : vector<16xf32>
      %swap3A_265 = arith.constant 4 : i32
      %swap3A_266 = arith.index_cast %swap3A_265 : i32 to index
      %swap3A_267 = arith.index_cast %mul3A_178 : i32 to index
      %swap3A_268 = tpu.vector_load %arg4[%swap3A_266, %swap3A_267] {strides = array<i32>} : memref<16x2048xf32, #tpu.memory_space<vmem>>, vector<16xf32>,
      tpu.vector_store %arg4[%swap3A_266, %swap3A_267], %add3A_264 {strides = array<i32>} : memref<16x2048xf32, #tpu.memory_space<vmem>>, vector<16xf32>,
      %add3A_269 = arith.addf %scan3A_165, %masked_cumsum3A_263 : vector<16xf32>
      %get3A_270 = arith.constant 5 : i32
      %get3A_271 = arith.index_cast %get3A_270 : i32 to index
      %get3A_272 = arith.index_cast %mul3A_178 : i32 to index
      %get3A_273 = tpu.vector_load %arg4[%get3A_271, %get3A_272] {strides = array<i32>} : memref<16x2048xf32, #tpu.memory_space<vmem>>, vector<16xf32>,
      %broadcast_in_dim3A_274 = arith.constant true
      %broadcast_in_dim3A_275 = vector.broadcast %broadcast_in_dim3A_274 : i1 to vector<16xi1>
      %masked_cumsum3A_276 = tpu.scan <sum>, %get3A_273 masked %broadcast_in_dim3A_275 : vector<16xf32>, vector<16xi1> -> vector<16xf32>
      %rev3A_277 = arith.constant 15 : i32
      %rev3A_278 = vector.broadcast %rev3A_277 : i32 to vector<16xi32>
      %rev3A_279 = tpu.iota {dimensions = array<i32: 0>} : vector<16xi32>
      %rev3A_280 = arith.subi %rev3A_278, %rev3A_279 : vector<16xi32>
      %rev3A_281 = tpu.dynamic_gather %masked_cumsum3A_276[%rev3A_280] in [0] : vector<16xf32>, vector<16xi32> -> vector<16xf32>
      %masked_cumsum3A_282 = tpu.scan <sum>, %rev3A_281 masked %eq3A_4 : vector<16xf32>, vector<16xi1> -> vector<16xf32>
      %add3A_283 = arith.addf %masked_cumsum3A_276, %scan3A_166 : vector<16xf32>
      %swap3A_284 = arith.constant 5 : i32
      %swap3A_285 = arith.index_cast %swap3A_284 : i32 to index
      %swap3A_286 = arith.index_cast %mul3A_178 : i32 to index
      %swap3A_287 = tpu.vector_load %arg4[%swap3A_285, %swap3A_286] {strides = array<i32>} : memref<16x2048xf32, #tpu.memory_space<vmem>>, vector<16xf32>,
      tpu.vector_store %arg4[%swap3A_285, %swap3A_286], %add3A_283 {strides = array<i32>} : memref<16x2048xf32, #tpu.memory_space<vmem>>, vector<16xf32>,
      %add3A_288 = arith.addf %scan3A_166, %masked_cumsum3A_282 : vector<16xf32>
      %get3A_289 = arith.constant 6 : i32
      %get3A_290 = arith.index_cast %get3A_289 : i32 to index
      %get3A_291 = arith.index_cast %mul3A_178 : i32 to index
      %get3A_292 = tpu.vector_load %arg4[%get3A_290, %get3A_291] {strides = array<i32>} : memref<16x2048xf32, #tpu.memory_space<vmem>>, vector<16xf32>,
      %broadcast_in_dim3A_293 = arith.constant true
      %broadcast_in_dim3A_294 = vector.broadcast %broadcast_in_dim3A_293 : i1 to vector<16xi1>
      %masked_cumsum3A_295 = tpu.scan <sum>, %get3A_292 masked %broadcast_in_dim3A_294 : vector<16xf32>, vector<16xi1> -> vector<16xf32>
      %rev3A_296 = arith.constant 15 : i32
      %rev3A_297 = vector.broadcast %rev3A_296 : i32 to vector<16xi32>
      %rev3A_298 = tpu.iota {dimensions = array<i32: 0>} : vector<16xi32>
      %rev3A_299 = arith.subi %rev3A_297, %rev3A_298 : vector<16xi32>
      %rev3A_300 = tpu.dynamic_gather %masked_cumsum3A_295[%rev3A_299] in [0] : vector<16xf32>, vector<16xi32> -> vector<16xf32>
      %masked_cumsum3A_301 = tpu.scan <sum>, %rev3A_300 masked %eq3A_4 : vector<16xf32>, vector<16xi1> -> vector<16xf32>
      %add3A_302 = arith.addf %masked_cumsum3A_295, %scan3A_167 : vector<16xf32>
      %swap3A_303 = arith.constant 6 : i32
      %swap3A_304 = arith.index_cast %swap3A_303 : i32 to index
      %swap3A_305 = arith.index_cast %mul3A_178 : i32 to index
      %swap3A_306 = tpu.vector_load %arg4[%swap3A_304, %swap3A_305] {strides = array<i32>} : memref<16x2048xf32, #tpu.memory_space<vmem>>, vector<16xf32>,
      tpu.vector_store %arg4[%swap3A_304, %swap3A_305], %add3A_302 {strides = array<i32>} : memref<16x2048xf32, #tpu.memory_space<vmem>>, vector<16xf32>,
      %add3A_307 = arith.addf %scan3A_167, %masked_cumsum3A_301 : vector<16xf32>
      %get3A_308 = arith.constant 7 : i32
      %get3A_309 = arith.index_cast %get3A_308 : i32 to index
      %get3A_310 = arith.index_cast %mul3A_178 : i32 to index
      %get3A_311 = tpu.vector_load %arg4[%get3A_309, %get3A_310] {strides = array<i32>} : memref<16x2048xf32, #tpu.memory_space<vmem>>, vector<16xf32>,
      %broadcast_in_dim3A_312 = arith.constant true
      %broadcast_in_dim3A_313 = vector.broadcast %broadcast_in_dim3A_312 : i1 to vector<16xi1>
      %masked_cumsum3A_314 = tpu.scan <sum>, %get3A_311 masked %broadcast_in_dim3A_313 : vector<16xf32>, vector<16xi1> -> vector<16xf32>
      %rev3A_315 = arith.constant 15 : i32
      %rev3A_316 = vector.broadcast %rev3A_315 : i32 to vector<16xi32>
      %rev3A_317 = tpu.iota {dimensions = array<i32: 0>} : vector<16xi32>
      %rev3A_318 = arith.subi %rev3A_316, %rev3A_317 : vector<16xi32>
      %rev3A_319 = tpu.dynamic_gather %masked_cumsum3A_314[%rev3A_318] in [0] : vector<16xf32>, vector<16xi32> -> vector<16xf32>
      %masked_cumsum3A_320 = tpu.scan <sum>, %rev3A_319 masked %eq3A_4 : vector<16xf32>, vector<16xi1> -> vector<16xf32>
      %add3A_321 = arith.addf %masked_cumsum3A_314, %scan3A_168 : vector<16xf32>
      %swap3A_322 = arith.constant 7 : i32
      %swap3A_323 = arith.index_cast %swap3A_322 : i32 to index
      %swap3A_324 = arith.index_cast %mul3A_178 : i32 to index
      %swap3A_325 = tpu.vector_load %arg4[%swap3A_323, %swap3A_324] {strides = array<i32>} : memref<16x2048xf32, #tpu.memory_space<vmem>>, vector<16xf32>,
      tpu.vector_store %arg4[%swap3A_323, %swap3A_324], %add3A_321 {strides = array<i32>} : memref<16x2048xf32, #tpu.memory_space<vmem>>, vector<16xf32>,
      %add3A_326 = arith.addf %scan3A_168, %masked_cumsum3A_320 : vector<16xf32>
      %get3A_327 = arith.constant 8 : i32
      %get3A_328 = arith.index_cast %get3A_327 : i32 to index
      %get3A_329 = arith.index_cast %mul3A_178 : i32 to index
      %get3A_330 = tpu.vector_load %arg4[%get3A_328, %get3A_329] {strides = array<i32>} : memref<16x2048xf32, #tpu.memory_space<vmem>>, vector<16xf32>,
      %broadcast_in_dim3A_331 = arith.constant true
      %broadcast_in_dim3A_332 = vector.broadcast %broadcast_in_dim3A_331 : i1 to vector<16xi1>
      %masked_cumsum3A_333 = tpu.scan <sum>, %get3A_330 masked %broadcast_in_dim3A_332 : vector<16xf32>, vector<16xi1> -> vector<16xf32>
      %rev3A_334 = arith.constant 15 : i32
      %rev3A_335 = vector.broadcast %rev3A_334 : i32 to vector<16xi32>
      %rev3A_336 = tpu.iota {dimensions = array<i32: 0>} : vector<16xi32>
      %rev3A_337 = arith.subi %rev3A_335, %rev3A_336 : vector<16xi32>
      %rev3A_338 = tpu.dynamic_gather %masked_cumsum3A_333[%rev3A_337] in [0] : vector<16xf32>, vector<16xi32> -> vector<16xf32>
      %masked_cumsum3A_339 = tpu.scan <sum>, %rev3A_338 masked %eq3A_4 : vector<16xf32>, vector<16xi1> -> vector<16xf32>
      %add3A_340 = arith.addf %masked_cumsum3A_333, %scan3A_169 : vector<16xf32>
      %swap3A_341 = arith.constant 8 : i32
      %swap3A_342 = arith.index_cast %swap3A_341 : i32 to index
      %swap3A_343 = arith.index_cast %mul3A_178 : i32 to index
      %swap3A_344 = tpu.vector_load %arg4[%swap3A_342, %swap3A_343] {strides = array<i32>} : memref<16x2048xf32, #tpu.memory_space<vmem>>, vector<16xf32>,
      tpu.vector_store %arg4[%swap3A_342, %swap3A_343], %add3A_340 {strides = array<i32>} : memref<16x2048xf32, #tpu.memory_space<vmem>>, vector<16xf32>,
      %add3A_345 = arith.addf %scan3A_169, %masked_cumsum3A_339 : vector<16xf32>
      %get3A_346 = arith.constant 9 : i32
      %get3A_347 = arith.index_cast %get3A_346 : i32 to index
      %get3A_348 = arith.index_cast %mul3A_178 : i32 to index
      %get3A_349 = tpu.vector_load %arg4[%get3A_347, %get3A_348] {strides = array<i32>} : memref<16x2048xf32, #tpu.memory_space<vmem>>, vector<16xf32>,
      %broadcast_in_dim3A_350 = arith.constant true
      %broadcast_in_dim3A_351 = vector.broadcast %broadcast_in_dim3A_350 : i1 to vector<16xi1>
      %masked_cumsum3A_352 = tpu.scan <sum>, %get3A_349 masked %broadcast_in_dim3A_351 : vector<16xf32>, vector<16xi1> -> vector<16xf32>
      %rev3A_353 = arith.constant 15 : i32
      %rev3A_354 = vector.broadcast %rev3A_353 : i32 to vector<16xi32>
      %rev3A_355 = tpu.iota {dimensions = array<i32: 0>} : vector<16xi32>
      %rev3A_356 = arith.subi %rev3A_354, %rev3A_355 : vector<16xi32>
      %rev3A_357 = tpu.dynamic_gather %masked_cumsum3A_352[%rev3A_356] in [0] : vector<16xf32>, vector<16xi32> -> vector<16xf32>
      %masked_cumsum3A_358 = tpu.scan <sum>, %rev3A_357 masked %eq3A_4 : vector<16xf32>, vector<16xi1> -> vector<16xf32>
      %add3A_359 = arith.addf %masked_cumsum3A_352, %scan3A_170 : vector<16xf32>
      %swap3A_360 = arith.constant 9 : i32
      %swap3A_361 = arith.index_cast %swap3A_360 : i32 to index
      %swap3A_362 = arith.index_cast %mul3A_178 : i32 to index
      %swap3A_363 = tpu.vector_load %arg4[%swap3A_361, %swap3A_362] {strides = array<i32>} : memref<16x2048xf32, #tpu.memory_space<vmem>>, vector<16xf32>,
      tpu.vector_store %arg4[%swap3A_361, %swap3A_362], %add3A_359 {strides = array<i32>} : memref<16x2048xf32, #tpu.memory_space<vmem>>, vector<16xf32>,
      %add3A_364 = arith.addf %scan3A_170, %masked_cumsum3A_358 : vector<16xf32>
      %get3A_365 = arith.constant 10 : i32
      %get3A_366 = arith.index_cast %get3A_365 : i32 to index
      %get3A_367 = arith.index_cast %mul3A_178 : i32 to index
      %get3A_368 = tpu.vector_load %arg4[%get3A_366, %get3A_367] {strides = array<i32>} : memref<16x2048xf32, #tpu.memory_space<vmem>>, vector<16xf32>,
      %broadcast_in_dim3A_369 = arith.constant true
      %broadcast_in_dim3A_370 = vector.broadcast %broadcast_in_dim3A_369 : i1 to vector<16xi1>
      %masked_cumsum3A_371 = tpu.scan <sum>, %get3A_368 masked %broadcast_in_dim3A_370 : vector<16xf32>, vector<16xi1> -> vector<16xf32>
      %rev3A_372 = arith.constant 15 : i32
      %rev3A_373 = vector.broadcast %rev3A_372 : i32 to vector<16xi32>
      %rev3A_374 = tpu.iota {dimensions = array<i32: 0>} : vector<16xi32>
      %rev3A_375 = arith.subi %rev3A_373, %rev3A_374 : vector<16xi32>
      %rev3A_376 = tpu.dynamic_gather %masked_cumsum3A_371[%rev3A_375] in [0] : vector<16xf32>, vector<16xi32> -> vector<16xf32>
      %masked_cumsum3A_377 = tpu.scan <sum>, %rev3A_376 masked %eq3A_4 : vector<16xf32>, vector<16xi1> -> vector<16xf32>
      %add3A_378 = arith.addf %masked_cumsum3A_371, %scan3A_171 : vector<16xf32>
      %swap3A_379 = arith.constant 10 : i32
      %swap3A_380 = arith.index_cast %swap3A_379 : i32 to index
      %swap3A_381 = arith.index_cast %mul3A_178 : i32 to index
      %swap3A_382 = tpu.vector_load %arg4[%swap3A_380, %swap3A_381] {strides = array<i32>} : memref<16x2048xf32, #tpu.memory_space<vmem>>, vector<16xf32>,
      tpu.vector_store %arg4[%swap3A_380, %swap3A_381], %add3A_378 {strides = array<i32>} : memref<16x2048xf32, #tpu.memory_space<vmem>>, vector<16xf32>,
      %add3A_383 = arith.addf %scan3A_171, %masked_cumsum3A_377 : vector<16xf32>
      %get3A_384 = arith.constant 11 : i32
      %get3A_385 = arith.index_cast %get3A_384 : i32 to index
      %get3A_386 = arith.index_cast %mul3A_178 : i32 to index
      %get3A_387 = tpu.vector_load %arg4[%get3A_385, %get3A_386] {strides = array<i32>} : memref<16x2048xf32, #tpu.memory_space<vmem>>, vector<16xf32>,
      %broadcast_in_dim3A_388 = arith.constant true
      %broadcast_in_dim3A_389 = vector.broadcast %broadcast_in_dim3A_388 : i1 to vector<16xi1>
      %masked_cumsum3A_390 = tpu.scan <sum>, %get3A_387 masked %broadcast_in_dim3A_389 : vector<16xf32>, vector<16xi1> -> vector<16xf32>
      %rev3A_391 = arith.constant 15 : i32
      %rev3A_392 = vector.broadcast %rev3A_391 : i32 to vector<16xi32>
      %rev3A_393 = tpu.iota {dimensions = array<i32: 0>} : vector<16xi32>
      %rev3A_394 = arith.subi %rev3A_392, %rev3A_393 : vector<16xi32>
      %rev3A_395 = tpu.dynamic_gather %masked_cumsum3A_390[%rev3A_394] in [0] : vector<16xf32>, vector<16xi32> -> vector<16xf32>
      %masked_cumsum3A_396 = tpu.scan <sum>, %rev3A_395 masked %eq3A_4 : vector<16xf32>, vector<16xi1> -> vector<16xf32>
      %add3A_397 = arith.addf %masked_cumsum3A_390, %scan3A_172 : vector<16xf32>
      %swap3A_398 = arith.constant 11 : i32
      %swap3A_399 = arith.index_cast %swap3A_398 : i32 to index
      %swap3A_400 = arith.index_cast %mul3A_178 : i32 to index
      %swap3A_401 = tpu.vector_load %arg4[%swap3A_399, %swap3A_400] {strides = array<i32>} : memref<16x2048xf32, #tpu.memory_space<vmem>>, vector<16xf32>,
      tpu.vector_store %arg4[%swap3A_399, %swap3A_400], %add3A_397 {strides = array<i32>} : memref<16x2048xf32, #tpu.memory_space<vmem>>, vector<16xf32>,
      %add3A_402 = arith.addf %scan3A_172, %masked_cumsum3A_396 : vector<16xf32>
      %get3A_403 = arith.constant 12 : i32
      %get3A_404 = arith.index_cast %get3A_403 : i32 to index
      %get3A_405 = arith.index_cast %mul3A_178 : i32 to index
      %get3A_406 = tpu.vector_load %arg4[%get3A_404, %get3A_405] {strides = array<i32>} : memref<16x2048xf32, #tpu.memory_space<vmem>>, vector<16xf32>,
      %broadcast_in_dim3A_407 = arith.constant true
      %broadcast_in_dim3A_408 = vector.broadcast %broadcast_in_dim3A_407 : i1 to vector<16xi1>
      %masked_cumsum3A_409 = tpu.scan <sum>, %get3A_406 masked %broadcast_in_dim3A_408 : vector<16xf32>, vector<16xi1> -> vector<16xf32>
      %rev3A_410 = arith.constant 15 : i32
      %rev3A_411 = vector.broadcast %rev3A_410 : i32 to vector<16xi32>
      %rev3A_412 = tpu.iota {dimensions = array<i32: 0>} : vector<16xi32>
      %rev3A_413 = arith.subi %rev3A_411, %rev3A_412 : vector<16xi32>
      %rev3A_414 = tpu.dynamic_gather %masked_cumsum3A_409[%rev3A_413] in [0] : vector<16xf32>, vector<16xi32> -> vector<16xf32>
      %masked_cumsum3A_415 = tpu.scan <sum>, %rev3A_414 masked %eq3A_4 : vector<16xf32>, vector<16xi1> -> vector<16xf32>
      %add3A_416 = arith.addf %masked_cumsum3A_409, %scan3A_173 : vector<16xf32>
      %swap3A_417 = arith.constant 12 : i32
      %swap3A_418 = arith.index_cast %swap3A_417 : i32 to index
      %swap3A_419 = arith.index_cast %mul3A_178 : i32 to index
      %swap3A_420 = tpu.vector_load %arg4[%swap3A_418, %swap3A_419] {strides = array<i32>} : memref<16x2048xf32, #tpu.memory_space<vmem>>, vector<16xf32>,
      tpu.vector_store %arg4[%swap3A_418, %swap3A_419], %add3A_416 {strides = array<i32>} : memref<16x2048xf32, #tpu.memory_space<vmem>>, vector<16xf32>,
      %add3A_421 = arith.addf %scan3A_173, %masked_cumsum3A_415 : vector<16xf32>
      %get3A_422 = arith.constant 13 : i32
      %get3A_423 = arith.index_cast %get3A_422 : i32 to index
      %get3A_424 = arith.index_cast %mul3A_178 : i32 to index
      %get3A_425 = tpu.vector_load %arg4[%get3A_423, %get3A_424] {strides = array<i32>} : memref<16x2048xf32, #tpu.memory_space<vmem>>, vector<16xf32>,
      %broadcast_in_dim3A_426 = arith.constant true
      %broadcast_in_dim3A_427 = vector.broadcast %broadcast_in_dim3A_426 : i1 to vector<16xi1>
      %masked_cumsum3A_428 = tpu.scan <sum>, %get3A_425 masked %broadcast_in_dim3A_427 : vector<16xf32>, vector<16xi1> -> vector<16xf32>
      %rev3A_429 = arith.constant 15 : i32
      %rev3A_430 = vector.broadcast %rev3A_429 : i32 to vector<16xi32>
      %rev3A_431 = tpu.iota {dimensions = array<i32: 0>} : vector<16xi32>
      %rev3A_432 = arith.subi %rev3A_430, %rev3A_431 : vector<16xi32>
      %rev3A_433 = tpu.dynamic_gather %masked_cumsum3A_428[%rev3A_432] in [0] : vector<16xf32>, vector<16xi32> -> vector<16xf32>
      %masked_cumsum3A_434 = tpu.scan <sum>, %rev3A_433 masked %eq3A_4 : vector<16xf32>, vector<16xi1> -> vector<16xf32>
      %add3A_435 = arith.addf %masked_cumsum3A_428, %scan3A_174 : vector<16xf32>
      %swap3A_436 = arith.constant 13 : i32
      %swap3A_437 = arith.index_cast %swap3A_436 : i32 to index
      %swap3A_438 = arith.index_cast %mul3A_178 : i32 to index
      %swap3A_439 = tpu.vector_load %arg4[%swap3A_437, %swap3A_438] {strides = array<i32>} : memref<16x2048xf32, #tpu.memory_space<vmem>>, vector<16xf32>,
      tpu.vector_store %arg4[%swap3A_437, %swap3A_438], %add3A_435 {strides = array<i32>} : memref<16x2048xf32, #tpu.memory_space<vmem>>, vector<16xf32>,
      %add3A_440 = arith.addf %scan3A_174, %masked_cumsum3A_434 : vector<16xf32>
      %get3A_441 = arith.constant 14 : i32
      %get3A_442 = arith.index_cast %get3A_441 : i32 to index
      %get3A_443 = arith.index_cast %mul3A_178 : i32 to index
      %get3A_444 = tpu.vector_load %arg4[%get3A_442, %get3A_443] {strides = array<i32>} : memref<16x2048xf32, #tpu.memory_space<vmem>>, vector<16xf32>,
      %broadcast_in_dim3A_445 = arith.constant true
      %broadcast_in_dim3A_446 = vector.broadcast %broadcast_in_dim3A_445 : i1 to vector<16xi1>
      %masked_cumsum3A_447 = tpu.scan <sum>, %get3A_444 masked %broadcast_in_dim3A_446 : vector<16xf32>, vector<16xi1> -> vector<16xf32>
      %rev3A_448 = arith.constant 15 : i32
      %rev3A_449 = vector.broadcast %rev3A_448 : i32 to vector<16xi32>
      %rev3A_450 = tpu.iota {dimensions = array<i32: 0>} : vector<16xi32>
      %rev3A_451 = arith.subi %rev3A_449, %rev3A_450 : vector<16xi32>
      %rev3A_452 = tpu.dynamic_gather %masked_cumsum3A_447[%rev3A_451] in [0] : vector<16xf32>, vector<16xi32> -> vector<16xf32>
      %masked_cumsum3A_453 = tpu.scan <sum>, %rev3A_452 masked %eq3A_4 : vector<16xf32>, vector<16xi1> -> vector<16xf32>
      %add3A_454 = arith.addf %masked_cumsum3A_447, %scan3A_175 : vector<16xf32>
      %swap3A_455 = arith.constant 14 : i32
      %swap3A_456 = arith.index_cast %swap3A_455 : i32 to index
      %swap3A_457 = arith.index_cast %mul3A_178 : i32 to index
      %swap3A_458 = tpu.vector_load %arg4[%swap3A_456, %swap3A_457] {strides = array<i32>} : memref<16x2048xf32, #tpu.memory_space<vmem>>, vector<16xf32>,
      tpu.vector_store %arg4[%swap3A_456, %swap3A_457], %add3A_454 {strides = array<i32>} : memref<16x2048xf32, #tpu.memory_space<vmem>>, vector<16xf32>,
      %add3A_459 = arith.addf %scan3A_175, %masked_cumsum3A_453 : vector<16xf32>
      %get3A_460 = arith.constant 15 : i32
      %get3A_461 = arith.index_cast %get3A_460 : i32 to index
      %get3A_462 = arith.index_cast %mul3A_178 : i32 to index
      %get3A_463 = tpu.vector_load %arg4[%get3A_461, %get3A_462] {strides = array<i32>} : memref<16x2048xf32, #tpu.memory_space<vmem>>, vector<16xf32>,
      %broadcast_in_dim3A_464 = arith.constant true
      %broadcast_in_dim3A_465 = vector.broadcast %broadcast_in_dim3A_464 : i1 to vector<16xi1>
      %masked_cumsum3A_466 = tpu.scan <sum>, %get3A_463 masked %broadcast_in_dim3A_465 : vector<16xf32>, vector<16xi1> -> vector<16xf32>
      %rev3A_467 = arith.constant 15 : i32
      %rev3A_468 = vector.broadcast %rev3A_467 : i32 to vector<16xi32>
      %rev3A_469 = tpu.iota {dimensions = array<i32: 0>} : vector<16xi32>
      %rev3A_470 = arith.subi %rev3A_468, %rev3A_469 : vector<16xi32>
      %rev3A_471 = tpu.dynamic_gather %masked_cumsum3A_466[%rev3A_470] in [0] : vector<16xf32>, vector<16xi32> -> vector<16xf32>
      %masked_cumsum3A_472 = tpu.scan <sum>, %rev3A_471 masked %eq3A_4 : vector<16xf32>, vector<16xi1> -> vector<16xf32>
      %add3A_473 = arith.addf %masked_cumsum3A_466, %scan3A_176 : vector<16xf32>
      %swap3A_474 = arith.constant 15 : i32
      %swap3A_475 = arith.index_cast %swap3A_474 : i32 to index
      %swap3A_476 = arith.index_cast %mul3A_178 : i32 to index
      %swap3A_477 = tpu.vector_load %arg4[%swap3A_475, %swap3A_476] {strides = array<i32>} : memref<16x2048xf32, #tpu.memory_space<vmem>>, vector<16xf32>,
      tpu.vector_store %arg4[%swap3A_475, %swap3A_476], %add3A_473 {strides = array<i32>} : memref<16x2048xf32, #tpu.memory_space<vmem>>, vector<16xf32>,
      %add3A_478 = arith.addf %scan3A_176, %masked_cumsum3A_472 : vector<16xf32>
      scf.yield %add3A_193, %add3A_212, %add3A_231, %add3A_250, %add3A_269, %add3A_288, %add3A_307, %add3A_326, %add3A_345, %add3A_364, %add3A_383, %add3A_402, %add3A_421, %add3A_440, %add3A_459, %add3A_478 : vector<16xf32>, vector<16xf32>, vector<16xf32>, vector<16xf32>, vector<16xf32>, vector<16xf32>, vector<16xf32>, vector<16xf32>, vector<16xf32>, vector<16xf32>, vector<16xf32>, vector<16xf32>, vector<16xf32>, vector<16xf32>, vector<16xf32>, vector<16xf32>
    }
    %scan3A_65 = arith.constant 128 : i32
    %mul3A_66 = arith.constant 16 : i32
    %mul3A_67 = arith.muli %add3A_20, %mul3A_66 : i32
    %add3A_68 = arith.addi %mul3A_2, %mul3A_67 : i32
    %dma_start3A_69 = arith.constant 0 : i32
    %dma_start3A_70 = tpu.memref_slice %arg3[%add3A_68, %dma_start3A_69] : memref<1024x2048xf32, #tpu.memory_space<hbm>> -> memref<16x2048xf32, #tpu.memory_space<hbm>>
    %dma_start3A_71 = arith.constant 0 : i32
    %dma_start3A_72 = tpu.memref_slice %arg3[%add3A_68, %dma_start3A_71] : memref<1024x2048xf32, #tpu.memory_space<hbm>> -> memref<16x2048xf32, #tpu.memory_space<hbm>>
    tpu.enqueue_dma source(%arg4 : memref<16x2048xf32, #tpu.memory_space<vmem>>) target(%dma_start3A_72 : memref<16x2048xf32, #tpu.memory_space<hbm>>) target_semaphore(%arg8 : memref<!tpu.dma_semaphore, #tpu.memory_space<semaphore_mem>>)
    %add3A_73 = arith.constant 2 : i32
    %add3A_74 = arith.addi %add3A_20, %add3A_73 : i32
    %lt3A = arith.constant 2 : i32
    %lt3A_75 = arith.cmpi slt, %add3A_74, %lt3A : i32
    %convert_element_type3A_76 = arith.extui %lt3A_75 : i1 to i32
    %cond3A_77 = arith.constant 0 : i32
    %cond3A_78 = arith.cmpi ne, %convert_element_type3A_76, %cond3A_77 : i32
    scf.if %cond3A_78 {
      %add3A_160 = arith.constant 2 : i32
      %add3A_161 = arith.addi %add3A_20, %add3A_160 : i32
      %mul3A_162 = arith.constant 16 : i32
      %mul3A_163 = arith.muli %add3A_161, %mul3A_162 : i32
      %add3A_164 = arith.addi %mul3A_2, %mul3A_163 : i32
      %dma_start3A_165 = arith.constant 0 : i32
      %dma_start3A_166 = tpu.memref_slice %arg2[%add3A_164, %dma_start3A_165] : memref<16384x2048xf32, #tpu.memory_space<hbm>> -> memref<16x2048xf32, #tpu.memory_space<hbm>>
      %dma_start3A_167 = arith.constant 0 : i32
      %dma_start3A_168 = tpu.memref_slice %arg2[%add3A_164, %dma_start3A_167] : memref<16384x2048xf32, #tpu.memory_space<hbm>> -> memref<16x2048xf32, #tpu.memory_space<hbm>>
      tpu.enqueue_dma source(%dma_start3A_168 : memref<16x2048xf32, #tpu.memory_space<hbm>>) target(%arg4 : memref<16x2048xf32, #tpu.memory_space<vmem>>) target_semaphore(%arg6 : memref<!tpu.dma_semaphore, #tpu.memory_space<semaphore_mem>>)
    } else {
    }
    %mul3A_79 = arith.constant 2 : i32
    %mul3A_80 = arith.muli %scan3A_16, %mul3A_79 : i32
    %add3A_81 = arith.constant 1 : i32
    %add3A_82 = arith.addi %mul3A_80, %add3A_81 : i32
    %mul3A_83 = arith.constant 16 : i32
    %mul3A_84 = arith.muli %add3A_82, %mul3A_83 : i32
    %add3A_85 = arith.addi %mul3A_2, %mul3A_84 : i32
    %dma_wait3A_86 = arith.constant 0 : i32
    %dma_wait3A_87 = tpu.memref_slice %arg2[%add3A_85, %dma_wait3A_86] : memref<16384x2048xf32, #tpu.memory_space<hbm>> -> memref<16x2048xf32, #tpu.memory_space<hbm>>
    %dma_wait3A_88 = arith.constant 0 : i32
    %dma_wait3A_89 = tpu.memref_slice %arg2[%add3A_85, %dma_wait3A_88] : memref<16384x2048xf32, #tpu.memory_space<hbm>> -> memref<16x2048xf32, #tpu.memory_space<hbm>>
    tpu.wait_dma2 semaphore(%arg7 : memref<!tpu.dma_semaphore, #tpu.memory_space<semaphore_mem>>) src(%dma_wait3A_89 : memref<16x2048xf32, #tpu.memory_space<hbm>>) dst(%arg5 : memref<16x2048xf32, #tpu.memory_space<vmem>>)
    %gt3A_90 = arith.constant 0 : i32
    %gt3A_91 = arith.cmpi sgt, %scan3A_16, %gt3A_90 : i32
    %convert_element_type3A_92 = arith.extui %gt3A_91 : i1 to i32
    %cond3A_93 = arith.constant 0 : i32
    %cond3A_94 = arith.cmpi ne, %convert_element_type3A_92, %cond3A_93 : i32
    scf.if %cond3A_94 {
      %sub3A = arith.constant 2 : i32
      %sub3A_160 = arith.subi %add3A_82, %sub3A : i32
      %mul3A_161 = arith.constant 16 : i32
      %mul3A_162 = arith.muli %sub3A_160, %mul3A_161 : i32
      %add3A_163 = arith.addi %mul3A_2, %mul3A_162 : i32
      %dma_wait3A_164 = arith.constant 0 : i32
      %dma_wait3A_165 = tpu.memref_slice %arg3[%add3A_163, %dma_wait3A_164] : memref<1024x2048xf32, #tpu.memory_space<hbm>> -> memref<16x2048xf32, #tpu.memory_space<hbm>>
      %dma_wait3A_166 = arith.constant 0 : i32
      %dma_wait3A_167 = tpu.memref_slice %arg3[%add3A_163, %dma_wait3A_166] : memref<1024x2048xf32, #tpu.memory_space<hbm>> -> memref<16x2048xf32, #tpu.memory_space<hbm>>
      tpu.wait_dma2 semaphore(%arg9 : memref<!tpu.dma_semaphore, #tpu.memory_space<semaphore_mem>>) src(%arg5 : memref<16x2048xf32, #tpu.memory_space<vmem>>) dst(%dma_wait3A_167 : memref<16x2048xf32, #tpu.memory_space<hbm>>)
    } else {
    }
    %broadcast_in_dim3A_95 = arith.constant 0.000000e+00 : f32
    %broadcast_in_dim3A_96 = vector.broadcast %broadcast_in_dim3A_95 : f32 to vector<16xf32>
    %broadcast_in_dim3A_97 = arith.constant 0.000000e+00 : f32
    %broadcast_in_dim3A_98 = vector.broadcast %broadcast_in_dim3A_97 : f32 to vector<16xf32>
    %broadcast_in_dim3A_99 = arith.constant 0.000000e+00 : f32
    %broadcast_in_dim3A_100 = vector.broadcast %broadcast_in_dim3A_99 : f32 to vector<16xf32>
    %broadcast_in_dim3A_101 = arith.constant 0.000000e+00 : f32
    %broadcast_in_dim3A_102 = vector.broadcast %broadcast_in_dim3A_101 : f32 to vector<16xf32>
    %broadcast_in_dim3A_103 = arith.constant 0.000000e+00 : f32
    %broadcast_in_dim3A_104 = vector.broadcast %broadcast_in_dim3A_103 : f32 to vector<16xf32>
    %broadcast_in_dim3A_105 = arith.constant 0.000000e+00 : f32
    %broadcast_in_dim3A_106 = vector.broadcast %broadcast_in_dim3A_105 : f32 to vector<16xf32>
    %broadcast_in_dim3A_107 = arith.constant 0.000000e+00 : f32
    %broadcast_in_dim3A_108 = vector.broadcast %broadcast_in_dim3A_107 : f32 to vector<16xf32>
    %broadcast_in_dim3A_109 = arith.constant 0.000000e+00 : f32
    %broadcast_in_dim3A_110 = vector.broadcast %broadcast_in_dim3A_109 : f32 to vector<16xf32>
    %broadcast_in_dim3A_111 = arith.constant 0.000000e+00 : f32
    %broadcast_in_dim3A_112 = vector.broadcast %broadcast_in_dim3A_111 : f32 to vector<16xf32>
    %broadcast_in_dim3A_113 = arith.constant 0.000000e+00 : f32
    %broadcast_in_dim3A_114 = vector.broadcast %broadcast_in_dim3A_113 : f32 to vector<16xf32>
    %broadcast_in_dim3A_115 = arith.constant 0.000000e+00 : f32
    %broadcast_in_dim3A_116 = vector.broadcast %broadcast_in_dim3A_115 : f32 to vector<16xf32>
    %broadcast_in_dim3A_117 = arith.constant 0.000000e+00 : f32
    %broadcast_in_dim3A_118 = vector.broadcast %broadcast_in_dim3A_117 : f32 to vector<16xf32>
    %broadcast_in_dim3A_119 = arith.constant 0.000000e+00 : f32
    %broadcast_in_dim3A_120 = vector.broadcast %broadcast_in_dim3A_119 : f32 to vector<16xf32>
    %broadcast_in_dim3A_121 = arith.constant 0.000000e+00 : f32
    %broadcast_in_dim3A_122 = vector.broadcast %broadcast_in_dim3A_121 : f32 to vector<16xf32>
    %broadcast_in_dim3A_123 = arith.constant 0.000000e+00 : f32
    %broadcast_in_dim3A_124 = vector.broadcast %broadcast_in_dim3A_123 : f32 to vector<16xf32>
    %broadcast_in_dim3A_125 = arith.constant 0.000000e+00 : f32
    %broadcast_in_dim3A_126 = vector.broadcast %broadcast_in_dim3A_125 : f32 to vector<16xf32>
    %scan3A_127 = arith.constant 0 : i32
    %scan3A_128 = arith.constant 128 : i32
    %scan3A_129 = arith.addi %scan3A_127, %scan3A_128 : i32
    %scan3A_130 = arith.constant 1 : i32
    %scan3A_131:16 = scf.for %scan3A_160 = %scan3A_127 to %scan3A_129 step %scan3A_130 iter_args(%scan3A_161 = %broadcast_in_dim3A_96, %scan3A_162 = %broadcast_in_dim3A_98, %scan3A_163 = %broadcast_in_dim3A_100, %scan3A_164 = %broadcast_in_dim3A_102, %scan3A_165 = %broadcast_in_dim3A_104, %scan3A_166 = %broadcast_in_dim3A_106, %scan3A_167 = %broadcast_in_dim3A_108, %scan3A_168 = %broadcast_in_dim3A_110, %scan3A_169 = %broadcast_in_dim3A_112, %scan3A_170 = %broadcast_in_dim3A_114, %scan3A_171 = %broadcast_in_dim3A_116, %scan3A_172 = %broadcast_in_dim3A_118, %scan3A_173 = %broadcast_in_dim3A_120, %scan3A_174 = %broadcast_in_dim3A_122, %scan3A_175 = %broadcast_in_dim3A_124, %scan3A_176 = %broadcast_in_dim3A_126) -> (vector<16xf32>, vector<16xf32>, vector<16xf32>, vector<16xf32>, vector<16xf32>, vector<16xf32>, vector<16xf32>, vector<16xf32>, vector<16xf32>, vector<16xf32>, vector<16xf32>, vector<16xf32>, vector<16xf32>, vector<16xf32>, vector<16xf32>, vector<16xf32>)  : i32 {
      %mul3A_177 = arith.constant 16 : i32
      %mul3A_178 = arith.muli %scan3A_160, %mul3A_177 : i32
      %get3A = arith.constant 0 : i32
      %get3A_179 = arith.index_cast %get3A : i32 to index
      %get3A_180 = arith.index_cast %mul3A_178 : i32 to index
      %get3A_181 = tpu.vector_load %arg5[%get3A_179, %get3A_180] {strides = array<i32>} : memref<16x2048xf32, #tpu.memory_space<vmem>>, vector<16xf32>,
      %broadcast_in_dim3A_182 = arith.constant true
      %broadcast_in_dim3A_183 = vector.broadcast %broadcast_in_dim3A_182 : i1 to vector<16xi1>
      %masked_cumsum3A = tpu.scan <sum>, %get3A_181 masked %broadcast_in_dim3A_183 : vector<16xf32>, vector<16xi1> -> vector<16xf32>
      %rev3A = arith.constant 15 : i32
      %rev3A_184 = vector.broadcast %rev3A : i32 to vector<16xi32>
      %rev3A_185 = tpu.iota {dimensions = array<i32: 0>} : vector<16xi32>
      %rev3A_186 = arith.subi %rev3A_184, %rev3A_185 : vector<16xi32>
      %rev3A_187 = tpu.dynamic_gather %masked_cumsum3A[%rev3A_186] in [0] : vector<16xf32>, vector<16xi32> -> vector<16xf32>
      %masked_cumsum3A_188 = tpu.scan <sum>, %rev3A_187 masked %eq3A_4 : vector<16xf32>, vector<16xi1> -> vector<16xf32>
      %add3A_189 = arith.addf %masked_cumsum3A, %scan3A_161 : vector<16xf32>
      %swap3A = arith.constant 0 : i32
      %swap3A_190 = arith.index_cast %swap3A : i32 to index
      %swap3A_191 = arith.index_cast %mul3A_178 : i32 to index
      %swap3A_192 = tpu.vector_load %arg5[%swap3A_190, %swap3A_191] {strides = array<i32>} : memref<16x2048xf32, #tpu.memory_space<vmem>>, vector<16xf32>,
      tpu.vector_store %arg5[%swap3A_190, %swap3A_191], %add3A_189 {strides = array<i32>} : memref<16x2048xf32, #tpu.memory_space<vmem>>, vector<16xf32>,
      %add3A_193 = arith.addf %scan3A_161, %masked_cumsum3A_188 : vector<16xf32>
      %get3A_194 = arith.constant 1 : i32
      %get3A_195 = arith.index_cast %get3A_194 : i32 to index
      %get3A_196 = arith.index_cast %mul3A_178 : i32 to index
      %get3A_197 = tpu.vector_load %arg5[%get3A_195, %get3A_196] {strides = array<i32>} : memref<16x2048xf32, #tpu.memory_space<vmem>>, vector<16xf32>,
      %broadcast_in_dim3A_198 = arith.constant true
      %broadcast_in_dim3A_199 = vector.broadcast %broadcast_in_dim3A_198 : i1 to vector<16xi1>
      %masked_cumsum3A_200 = tpu.scan <sum>, %get3A_197 masked %broadcast_in_dim3A_199 : vector<16xf32>, vector<16xi1> -> vector<16xf32>
      %rev3A_201 = arith.constant 15 : i32
      %rev3A_202 = vector.broadcast %rev3A_201 : i32 to vector<16xi32>
      %rev3A_203 = tpu.iota {dimensions = array<i32: 0>} : vector<16xi32>
      %rev3A_204 = arith.subi %rev3A_202, %rev3A_203 : vector<16xi32>
      %rev3A_205 = tpu.dynamic_gather %masked_cumsum3A_200[%rev3A_204] in [0] : vector<16xf32>, vector<16xi32> -> vector<16xf32>
      %masked_cumsum3A_206 = tpu.scan <sum>, %rev3A_205 masked %eq3A_4 : vector<16xf32>, vector<16xi1> -> vector<16xf32>
      %add3A_207 = arith.addf %masked_cumsum3A_200, %scan3A_162 : vector<16xf32>
      %swap3A_208 = arith.constant 1 : i32
      %swap3A_209 = arith.index_cast %swap3A_208 : i32 to index
      %swap3A_210 = arith.index_cast %mul3A_178 : i32 to index
      %swap3A_211 = tpu.vector_load %arg5[%swap3A_209, %swap3A_210] {strides = array<i32>} : memref<16x2048xf32, #tpu.memory_space<vmem>>, vector<16xf32>,
      tpu.vector_store %arg5[%swap3A_209, %swap3A_210], %add3A_207 {strides = array<i32>} : memref<16x2048xf32, #tpu.memory_space<vmem>>, vector<16xf32>,
      %add3A_212 = arith.addf %scan3A_162, %masked_cumsum3A_206 : vector<16xf32>
      %get3A_213 = arith.constant 2 : i32
      %get3A_214 = arith.index_cast %get3A_213 : i32 to index
      %get3A_215 = arith.index_cast %mul3A_178 : i32 to index
      %get3A_216 = tpu.vector_load %arg5[%get3A_214, %get3A_215] {strides = array<i32>} : memref<16x2048xf32, #tpu.memory_space<vmem>>, vector<16xf32>,
      %broadcast_in_dim3A_217 = arith.constant true
      %broadcast_in_dim3A_218 = vector.broadcast %broadcast_in_dim3A_217 : i1 to vector<16xi1>
      %masked_cumsum3A_219 = tpu.scan <sum>, %get3A_216 masked %broadcast_in_dim3A_218 : vector<16xf32>, vector<16xi1> -> vector<16xf32>
      %rev3A_220 = arith.constant 15 : i32
      %rev3A_221 = vector.broadcast %rev3A_220 : i32 to vector<16xi32>
      %rev3A_222 = tpu.iota {dimensions = array<i32: 0>} : vector<16xi32>
      %rev3A_223 = arith.subi %rev3A_221, %rev3A_222 : vector<16xi32>
      %rev3A_224 = tpu.dynamic_gather %masked_cumsum3A_219[%rev3A_223] in [0] : vector<16xf32>, vector<16xi32> -> vector<16xf32>
      %masked_cumsum3A_225 = tpu.scan <sum>, %rev3A_224 masked %eq3A_4 : vector<16xf32>, vector<16xi1> -> vector<16xf32>
      %add3A_226 = arith.addf %masked_cumsum3A_219, %scan3A_163 : vector<16xf32>
      %swap3A_227 = arith.constant 2 : i32
      %swap3A_228 = arith.index_cast %swap3A_227 : i32 to index
      %swap3A_229 = arith.index_cast %mul3A_178 : i32 to index
      %swap3A_230 = tpu.vector_load %arg5[%swap3A_228, %swap3A_229] {strides = array<i32>} : memref<16x2048xf32, #tpu.memory_space<vmem>>, vector<16xf32>,
      tpu.vector_store %arg5[%swap3A_228, %swap3A_229], %add3A_226 {strides = array<i32>} : memref<16x2048xf32, #tpu.memory_space<vmem>>, vector<16xf32>,
      %add3A_231 = arith.addf %scan3A_163, %masked_cumsum3A_225 : vector<16xf32>
      %get3A_232 = arith.constant 3 : i32
      %get3A_233 = arith.index_cast %get3A_232 : i32 to index
      %get3A_234 = arith.index_cast %mul3A_178 : i32 to index
      %get3A_235 = tpu.vector_load %arg5[%get3A_233, %get3A_234] {strides = array<i32>} : memref<16x2048xf32, #tpu.memory_space<vmem>>, vector<16xf32>,
      %broadcast_in_dim3A_236 = arith.constant true
      %broadcast_in_dim3A_237 = vector.broadcast %broadcast_in_dim3A_236 : i1 to vector<16xi1>
      %masked_cumsum3A_238 = tpu.scan <sum>, %get3A_235 masked %broadcast_in_dim3A_237 : vector<16xf32>, vector<16xi1> -> vector<16xf32>
      %rev3A_239 = arith.constant 15 : i32
      %rev3A_240 = vector.broadcast %rev3A_239 : i32 to vector<16xi32>
      %rev3A_241 = tpu.iota {dimensions = array<i32: 0>} : vector<16xi32>
      %rev3A_242 = arith.subi %rev3A_240, %rev3A_241 : vector<16xi32>
      %rev3A_243 = tpu.dynamic_gather %masked_cumsum3A_238[%rev3A_242] in [0] : vector<16xf32>, vector<16xi32> -> vector<16xf32>
      %masked_cumsum3A_244 = tpu.scan <sum>, %rev3A_243 masked %eq3A_4 : vector<16xf32>, vector<16xi1> -> vector<16xf32>
      %add3A_245 = arith.addf %masked_cumsum3A_238, %scan3A_164 : vector<16xf32>
      %swap3A_246 = arith.constant 3 : i32
      %swap3A_247 = arith.index_cast %swap3A_246 : i32 to index
      %swap3A_248 = arith.index_cast %mul3A_178 : i32 to index
      %swap3A_249 = tpu.vector_load %arg5[%swap3A_247, %swap3A_248] {strides = array<i32>} : memref<16x2048xf32, #tpu.memory_space<vmem>>, vector<16xf32>,
      tpu.vector_store %arg5[%swap3A_247, %swap3A_248], %add3A_245 {strides = array<i32>} : memref<16x2048xf32, #tpu.memory_space<vmem>>, vector<16xf32>,
      %add3A_250 = arith.addf %scan3A_164, %masked_cumsum3A_244 : vector<16xf32>
      %get3A_251 = arith.constant 4 : i32
      %get3A_252 = arith.index_cast %get3A_251 : i32 to index
      %get3A_253 = arith.index_cast %mul3A_178 : i32 to index
      %get3A_254 = tpu.vector_load %arg5[%get3A_252, %get3A_253] {strides = array<i32>} : memref<16x2048xf32, #tpu.memory_space<vmem>>, vector<16xf32>,
      %broadcast_in_dim3A_255 = arith.constant true
      %broadcast_in_dim3A_256 = vector.broadcast %broadcast_in_dim3A_255 : i1 to vector<16xi1>
      %masked_cumsum3A_257 = tpu.scan <sum>, %get3A_254 masked %broadcast_in_dim3A_256 : vector<16xf32>, vector<16xi1> -> vector<16xf32>
      %rev3A_258 = arith.constant 15 : i32
      %rev3A_259 = vector.broadcast %rev3A_258 : i32 to vector<16xi32>
      %rev3A_260 = tpu.iota {dimensions = array<i32: 0>} : vector<16xi32>
      %rev3A_261 = arith.subi %rev3A_259, %rev3A_260 : vector<16xi32>
      %rev3A_262 = tpu.dynamic_gather %masked_cumsum3A_257[%rev3A_261] in [0] : vector<16xf32>, vector<16xi32> -> vector<16xf32>
      %masked_cumsum3A_263 = tpu.scan <sum>, %rev3A_262 masked %eq3A_4 : vector<16xf32>, vector<16xi1> -> vector<16xf32>
      %add3A_264 = arith.addf %masked_cumsum3A_257, %scan3A_165 : vector<16xf32>
      %swap3A_265 = arith.constant 4 : i32
      %swap3A_266 = arith.index_cast %swap3A_265 : i32 to index
      %swap3A_267 = arith.index_cast %mul3A_178 : i32 to index
      %swap3A_268 = tpu.vector_load %arg5[%swap3A_266, %swap3A_267] {strides = array<i32>} : memref<16x2048xf32, #tpu.memory_space<vmem>>, vector<16xf32>,
      tpu.vector_store %arg5[%swap3A_266, %swap3A_267], %add3A_264 {strides = array<i32>} : memref<16x2048xf32, #tpu.memory_space<vmem>>, vector<16xf32>,
      %add3A_269 = arith.addf %scan3A_165, %masked_cumsum3A_263 : vector<16xf32>
      %get3A_270 = arith.constant 5 : i32
      %get3A_271 = arith.index_cast %get3A_270 : i32 to index
      %get3A_272 = arith.index_cast %mul3A_178 : i32 to index
      %get3A_273 = tpu.vector_load %arg5[%get3A_271, %get3A_272] {strides = array<i32>} : memref<16x2048xf32, #tpu.memory_space<vmem>>, vector<16xf32>,
      %broadcast_in_dim3A_274 = arith.constant true
      %broadcast_in_dim3A_275 = vector.broadcast %broadcast_in_dim3A_274 : i1 to vector<16xi1>
      %masked_cumsum3A_276 = tpu.scan <sum>, %get3A_273 masked %broadcast_in_dim3A_275 : vector<16xf32>, vector<16xi1> -> vector<16xf32>
      %rev3A_277 = arith.constant 15 : i32
      %rev3A_278 = vector.broadcast %rev3A_277 : i32 to vector<16xi32>
      %rev3A_279 = tpu.iota {dimensions = array<i32: 0>} : vector<16xi32>
      %rev3A_280 = arith.subi %rev3A_278, %rev3A_279 : vector<16xi32>
      %rev3A_281 = tpu.dynamic_gather %masked_cumsum3A_276[%rev3A_280] in [0] : vector<16xf32>, vector<16xi32> -> vector<16xf32>
      %masked_cumsum3A_282 = tpu.scan <sum>, %rev3A_281 masked %eq3A_4 : vector<16xf32>, vector<16xi1> -> vector<16xf32>
      %add3A_283 = arith.addf %masked_cumsum3A_276, %scan3A_166 : vector<16xf32>
      %swap3A_284 = arith.constant 5 : i32
      %swap3A_285 = arith.index_cast %swap3A_284 : i32 to index
      %swap3A_286 = arith.index_cast %mul3A_178 : i32 to index
      %swap3A_287 = tpu.vector_load %arg5[%swap3A_285, %swap3A_286] {strides = array<i32>} : memref<16x2048xf32, #tpu.memory_space<vmem>>, vector<16xf32>,
      tpu.vector_store %arg5[%swap3A_285, %swap3A_286], %add3A_283 {strides = array<i32>} : memref<16x2048xf32, #tpu.memory_space<vmem>>, vector<16xf32>,
      %add3A_288 = arith.addf %scan3A_166, %masked_cumsum3A_282 : vector<16xf32>
      %get3A_289 = arith.constant 6 : i32
      %get3A_290 = arith.index_cast %get3A_289 : i32 to index
      %get3A_291 = arith.index_cast %mul3A_178 : i32 to index
      %get3A_292 = tpu.vector_load %arg5[%get3A_290, %get3A_291] {strides = array<i32>} : memref<16x2048xf32, #tpu.memory_space<vmem>>, vector<16xf32>,
      %broadcast_in_dim3A_293 = arith.constant true
      %broadcast_in_dim3A_294 = vector.broadcast %broadcast_in_dim3A_293 : i1 to vector<16xi1>
      %masked_cumsum3A_295 = tpu.scan <sum>, %get3A_292 masked %broadcast_in_dim3A_294 : vector<16xf32>, vector<16xi1> -> vector<16xf32>
      %rev3A_296 = arith.constant 15 : i32
      %rev3A_297 = vector.broadcast %rev3A_296 : i32 to vector<16xi32>
      %rev3A_298 = tpu.iota {dimensions = array<i32: 0>} : vector<16xi32>
      %rev3A_299 = arith.subi %rev3A_297, %rev3A_298 : vector<16xi32>
      %rev3A_300 = tpu.dynamic_gather %masked_cumsum3A_295[%rev3A_299] in [0] : vector<16xf32>, vector<16xi32> -> vector<16xf32>
      %masked_cumsum3A_301 = tpu.scan <sum>, %rev3A_300 masked %eq3A_4 : vector<16xf32>, vector<16xi1> -> vector<16xf32>
      %add3A_302 = arith.addf %masked_cumsum3A_295, %scan3A_167 : vector<16xf32>
      %swap3A_303 = arith.constant 6 : i32
      %swap3A_304 = arith.index_cast %swap3A_303 : i32 to index
      %swap3A_305 = arith.index_cast %mul3A_178 : i32 to index
      %swap3A_306 = tpu.vector_load %arg5[%swap3A_304, %swap3A_305] {strides = array<i32>} : memref<16x2048xf32, #tpu.memory_space<vmem>>, vector<16xf32>,
      tpu.vector_store %arg5[%swap3A_304, %swap3A_305], %add3A_302 {strides = array<i32>} : memref<16x2048xf32, #tpu.memory_space<vmem>>, vector<16xf32>,
      %add3A_307 = arith.addf %scan3A_167, %masked_cumsum3A_301 : vector<16xf32>
      %get3A_308 = arith.constant 7 : i32
      %get3A_309 = arith.index_cast %get3A_308 : i32 to index
      %get3A_310 = arith.index_cast %mul3A_178 : i32 to index
      %get3A_311 = tpu.vector_load %arg5[%get3A_309, %get3A_310] {strides = array<i32>} : memref<16x2048xf32, #tpu.memory_space<vmem>>, vector<16xf32>,
      %broadcast_in_dim3A_312 = arith.constant true
      %broadcast_in_dim3A_313 = vector.broadcast %broadcast_in_dim3A_312 : i1 to vector<16xi1>
      %masked_cumsum3A_314 = tpu.scan <sum>, %get3A_311 masked %broadcast_in_dim3A_313 : vector<16xf32>, vector<16xi1> -> vector<16xf32>
      %rev3A_315 = arith.constant 15 : i32
      %rev3A_316 = vector.broadcast %rev3A_315 : i32 to vector<16xi32>
      %rev3A_317 = tpu.iota {dimensions = array<i32: 0>} : vector<16xi32>
      %rev3A_318 = arith.subi %rev3A_316, %rev3A_317 : vector<16xi32>
      %rev3A_319 = tpu.dynamic_gather %masked_cumsum3A_314[%rev3A_318] in [0] : vector<16xf32>, vector<16xi32> -> vector<16xf32>
      %masked_cumsum3A_320 = tpu.scan <sum>, %rev3A_319 masked %eq3A_4 : vector<16xf32>, vector<16xi1> -> vector<16xf32>
      %add3A_321 = arith.addf %masked_cumsum3A_314, %scan3A_168 : vector<16xf32>
      %swap3A_322 = arith.constant 7 : i32
      %swap3A_323 = arith.index_cast %swap3A_322 : i32 to index
      %swap3A_324 = arith.index_cast %mul3A_178 : i32 to index
      %swap3A_325 = tpu.vector_load %arg5[%swap3A_323, %swap3A_324] {strides = array<i32>} : memref<16x2048xf32, #tpu.memory_space<vmem>>, vector<16xf32>,
      tpu.vector_store %arg5[%swap3A_323, %swap3A_324], %add3A_321 {strides = array<i32>} : memref<16x2048xf32, #tpu.memory_space<vmem>>, vector<16xf32>,
      %add3A_326 = arith.addf %scan3A_168, %masked_cumsum3A_320 : vector<16xf32>
      %get3A_327 = arith.constant 8 : i32
      %get3A_328 = arith.index_cast %get3A_327 : i32 to index
      %get3A_329 = arith.index_cast %mul3A_178 : i32 to index
      %get3A_330 = tpu.vector_load %arg5[%get3A_328, %get3A_329] {strides = array<i32>} : memref<16x2048xf32, #tpu.memory_space<vmem>>, vector<16xf32>,
      %broadcast_in_dim3A_331 = arith.constant true
      %broadcast_in_dim3A_332 = vector.broadcast %broadcast_in_dim3A_331 : i1 to vector<16xi1>
      %masked_cumsum3A_333 = tpu.scan <sum>, %get3A_330 masked %broadcast_in_dim3A_332 : vector<16xf32>, vector<16xi1> -> vector<16xf32>
      %rev3A_334 = arith.constant 15 : i32
      %rev3A_335 = vector.broadcast %rev3A_334 : i32 to vector<16xi32>
      %rev3A_336 = tpu.iota {dimensions = array<i32: 0>} : vector<16xi32>
      %rev3A_337 = arith.subi %rev3A_335, %rev3A_336 : vector<16xi32>
      %rev3A_338 = tpu.dynamic_gather %masked_cumsum3A_333[%rev3A_337] in [0] : vector<16xf32>, vector<16xi32> -> vector<16xf32>
      %masked_cumsum3A_339 = tpu.scan <sum>, %rev3A_338 masked %eq3A_4 : vector<16xf32>, vector<16xi1> -> vector<16xf32>
      %add3A_340 = arith.addf %masked_cumsum3A_333, %scan3A_169 : vector<16xf32>
      %swap3A_341 = arith.constant 8 : i32
      %swap3A_342 = arith.index_cast %swap3A_341 : i32 to index
      %swap3A_343 = arith.index_cast %mul3A_178 : i32 to index
      %swap3A_344 = tpu.vector_load %arg5[%swap3A_342, %swap3A_343] {strides = array<i32>} : memref<16x2048xf32, #tpu.memory_space<vmem>>, vector<16xf32>,
      tpu.vector_store %arg5[%swap3A_342, %swap3A_343], %add3A_340 {strides = array<i32>} : memref<16x2048xf32, #tpu.memory_space<vmem>>, vector<16xf32>,
      %add3A_345 = arith.addf %scan3A_169, %masked_cumsum3A_339 : vector<16xf32>
      %get3A_346 = arith.constant 9 : i32
      %get3A_347 = arith.index_cast %get3A_346 : i32 to index
      %get3A_348 = arith.index_cast %mul3A_178 : i32 to index
      %get3A_349 = tpu.vector_load %arg5[%get3A_347, %get3A_348] {strides = array<i32>} : memref<16x2048xf32, #tpu.memory_space<vmem>>, vector<16xf32>,
      %broadcast_in_dim3A_350 = arith.constant true
      %broadcast_in_dim3A_351 = vector.broadcast %broadcast_in_dim3A_350 : i1 to vector<16xi1>
      %masked_cumsum3A_352 = tpu.scan <sum>, %get3A_349 masked %broadcast_in_dim3A_351 : vector<16xf32>, vector<16xi1> -> vector<16xf32>
      %rev3A_353 = arith.constant 15 : i32
      %rev3A_354 = vector.broadcast %rev3A_353 : i32 to vector<16xi32>
      %rev3A_355 = tpu.iota {dimensions = array<i32: 0>} : vector<16xi32>
      %rev3A_356 = arith.subi %rev3A_354, %rev3A_355 : vector<16xi32>
      %rev3A_357 = tpu.dynamic_gather %masked_cumsum3A_352[%rev3A_356] in [0] : vector<16xf32>, vector<16xi32> -> vector<16xf32>
      %masked_cumsum3A_358 = tpu.scan <sum>, %rev3A_357 masked %eq3A_4 : vector<16xf32>, vector<16xi1> -> vector<16xf32>
      %add3A_359 = arith.addf %masked_cumsum3A_352, %scan3A_170 : vector<16xf32>
      %swap3A_360 = arith.constant 9 : i32
      %swap3A_361 = arith.index_cast %swap3A_360 : i32 to index
      %swap3A_362 = arith.index_cast %mul3A_178 : i32 to index
      %swap3A_363 = tpu.vector_load %arg5[%swap3A_361, %swap3A_362] {strides = array<i32>} : memref<16x2048xf32, #tpu.memory_space<vmem>>, vector<16xf32>,
      tpu.vector_store %arg5[%swap3A_361, %swap3A_362], %add3A_359 {strides = array<i32>} : memref<16x2048xf32, #tpu.memory_space<vmem>>, vector<16xf32>,
      %add3A_364 = arith.addf %scan3A_170, %masked_cumsum3A_358 : vector<16xf32>
      %get3A_365 = arith.constant 10 : i32
      %get3A_366 = arith.index_cast %get3A_365 : i32 to index
      %get3A_367 = arith.index_cast %mul3A_178 : i32 to index
      %get3A_368 = tpu.vector_load %arg5[%get3A_366, %get3A_367] {strides = array<i32>} : memref<16x2048xf32, #tpu.memory_space<vmem>>, vector<16xf32>,
      %broadcast_in_dim3A_369 = arith.constant true
      %broadcast_in_dim3A_370 = vector.broadcast %broadcast_in_dim3A_369 : i1 to vector<16xi1>
      %masked_cumsum3A_371 = tpu.scan <sum>, %get3A_368 masked %broadcast_in_dim3A_370 : vector<16xf32>, vector<16xi1> -> vector<16xf32>
      %rev3A_372 = arith.constant 15 : i32
      %rev3A_373 = vector.broadcast %rev3A_372 : i32 to vector<16xi32>
      %rev3A_374 = tpu.iota {dimensions = array<i32: 0>} : vector<16xi32>
      %rev3A_375 = arith.subi %rev3A_373, %rev3A_374 : vector<16xi32>
      %rev3A_376 = tpu.dynamic_gather %masked_cumsum3A_371[%rev3A_375] in [0] : vector<16xf32>, vector<16xi32> -> vector<16xf32>
      %masked_cumsum3A_377 = tpu.scan <sum>, %rev3A_376 masked %eq3A_4 : vector<16xf32>, vector<16xi1> -> vector<16xf32>
      %add3A_378 = arith.addf %masked_cumsum3A_371, %scan3A_171 : vector<16xf32>
      %swap3A_379 = arith.constant 10 : i32
      %swap3A_380 = arith.index_cast %swap3A_379 : i32 to index
      %swap3A_381 = arith.index_cast %mul3A_178 : i32 to index
      %swap3A_382 = tpu.vector_load %arg5[%swap3A_380, %swap3A_381] {strides = array<i32>} : memref<16x2048xf32, #tpu.memory_space<vmem>>, vector<16xf32>,
      tpu.vector_store %arg5[%swap3A_380, %swap3A_381], %add3A_378 {strides = array<i32>} : memref<16x2048xf32, #tpu.memory_space<vmem>>, vector<16xf32>,
      %add3A_383 = arith.addf %scan3A_171, %masked_cumsum3A_377 : vector<16xf32>
      %get3A_384 = arith.constant 11 : i32
      %get3A_385 = arith.index_cast %get3A_384 : i32 to index
      %get3A_386 = arith.index_cast %mul3A_178 : i32 to index
      %get3A_387 = tpu.vector_load %arg5[%get3A_385, %get3A_386] {strides = array<i32>} : memref<16x2048xf32, #tpu.memory_space<vmem>>, vector<16xf32>,
      %broadcast_in_dim3A_388 = arith.constant true
      %broadcast_in_dim3A_389 = vector.broadcast %broadcast_in_dim3A_388 : i1 to vector<16xi1>
      %masked_cumsum3A_390 = tpu.scan <sum>, %get3A_387 masked %broadcast_in_dim3A_389 : vector<16xf32>, vector<16xi1> -> vector<16xf32>
      %rev3A_391 = arith.constant 15 : i32
      %rev3A_392 = vector.broadcast %rev3A_391 : i32 to vector<16xi32>
      %rev3A_393 = tpu.iota {dimensions = array<i32: 0>} : vector<16xi32>
      %rev3A_394 = arith.subi %rev3A_392, %rev3A_393 : vector<16xi32>
      %rev3A_395 = tpu.dynamic_gather %masked_cumsum3A_390[%rev3A_394] in [0] : vector<16xf32>, vector<16xi32> -> vector<16xf32>
      %masked_cumsum3A_396 = tpu.scan <sum>, %rev3A_395 masked %eq3A_4 : vector<16xf32>, vector<16xi1> -> vector<16xf32>
      %add3A_397 = arith.addf %masked_cumsum3A_390, %scan3A_172 : vector<16xf32>
      %swap3A_398 = arith.constant 11 : i32
      %swap3A_399 = arith.index_cast %swap3A_398 : i32 to index
      %swap3A_400 = arith.index_cast %mul3A_178 : i32 to index
      %swap3A_401 = tpu.vector_load %arg5[%swap3A_399, %swap3A_400] {strides = array<i32>} : memref<16x2048xf32, #tpu.memory_space<vmem>>, vector<16xf32>,
      tpu.vector_store %arg5[%swap3A_399, %swap3A_400], %add3A_397 {strides = array<i32>} : memref<16x2048xf32, #tpu.memory_space<vmem>>, vector<16xf32>,
      %add3A_402 = arith.addf %scan3A_172, %masked_cumsum3A_396 : vector<16xf32>
      %get3A_403 = arith.constant 12 : i32
      %get3A_404 = arith.index_cast %get3A_403 : i32 to index
      %get3A_405 = arith.index_cast %mul3A_178 : i32 to index
      %get3A_406 = tpu.vector_load %arg5[%get3A_404, %get3A_405] {strides = array<i32>} : memref<16x2048xf32, #tpu.memory_space<vmem>>, vector<16xf32>,
      %broadcast_in_dim3A_407 = arith.constant true
      %broadcast_in_dim3A_408 = vector.broadcast %broadcast_in_dim3A_407 : i1 to vector<16xi1>
      %masked_cumsum3A_409 = tpu.scan <sum>, %get3A_406 masked %broadcast_in_dim3A_408 : vector<16xf32>, vector<16xi1> -> vector<16xf32>
      %rev3A_410 = arith.constant 15 : i32
      %rev3A_411 = vector.broadcast %rev3A_410 : i32 to vector<16xi32>
      %rev3A_412 = tpu.iota {dimensions = array<i32: 0>} : vector<16xi32>
      %rev3A_413 = arith.subi %rev3A_411, %rev3A_412 : vector<16xi32>
      %rev3A_414 = tpu.dynamic_gather %masked_cumsum3A_409[%rev3A_413] in [0] : vector<16xf32>, vector<16xi32> -> vector<16xf32>
      %masked_cumsum3A_415 = tpu.scan <sum>, %rev3A_414 masked %eq3A_4 : vector<16xf32>, vector<16xi1> -> vector<16xf32>
      %add3A_416 = arith.addf %masked_cumsum3A_409, %scan3A_173 : vector<16xf32>
      %swap3A_417 = arith.constant 12 : i32
      %swap3A_418 = arith.index_cast %swap3A_417 : i32 to index
      %swap3A_419 = arith.index_cast %mul3A_178 : i32 to index
      %swap3A_420 = tpu.vector_load %arg5[%swap3A_418, %swap3A_419] {strides = array<i32>} : memref<16x2048xf32, #tpu.memory_space<vmem>>, vector<16xf32>,
      tpu.vector_store %arg5[%swap3A_418, %swap3A_419], %add3A_416 {strides = array<i32>} : memref<16x2048xf32, #tpu.memory_space<vmem>>, vector<16xf32>,
      %add3A_421 = arith.addf %scan3A_173, %masked_cumsum3A_415 : vector<16xf32>
      %get3A_422 = arith.constant 13 : i32
      %get3A_423 = arith.index_cast %get3A_422 : i32 to index
      %get3A_424 = arith.index_cast %mul3A_178 : i32 to index
      %get3A_425 = tpu.vector_load %arg5[%get3A_423, %get3A_424] {strides = array<i32>} : memref<16x2048xf32, #tpu.memory_space<vmem>>, vector<16xf32>,
      %broadcast_in_dim3A_426 = arith.constant true
      %broadcast_in_dim3A_427 = vector.broadcast %broadcast_in_dim3A_426 : i1 to vector<16xi1>
      %masked_cumsum3A_428 = tpu.scan <sum>, %get3A_425 masked %broadcast_in_dim3A_427 : vector<16xf32>, vector<16xi1> -> vector<16xf32>
      %rev3A_429 = arith.constant 15 : i32
      %rev3A_430 = vector.broadcast %rev3A_429 : i32 to vector<16xi32>
      %rev3A_431 = tpu.iota {dimensions = array<i32: 0>} : vector<16xi32>
      %rev3A_432 = arith.subi %rev3A_430, %rev3A_431 : vector<16xi32>
      %rev3A_433 = tpu.dynamic_gather %masked_cumsum3A_428[%rev3A_432] in [0] : vector<16xf32>, vector<16xi32> -> vector<16xf32>
      %masked_cumsum3A_434 = tpu.scan <sum>, %rev3A_433 masked %eq3A_4 : vector<16xf32>, vector<16xi1> -> vector<16xf32>
      %add3A_435 = arith.addf %masked_cumsum3A_428, %scan3A_174 : vector<16xf32>
      %swap3A_436 = arith.constant 13 : i32
      %swap3A_437 = arith.index_cast %swap3A_436 : i32 to index
      %swap3A_438 = arith.index_cast %mul3A_178 : i32 to index
      %swap3A_439 = tpu.vector_load %arg5[%swap3A_437, %swap3A_438] {strides = array<i32>} : memref<16x2048xf32, #tpu.memory_space<vmem>>, vector<16xf32>,
      tpu.vector_store %arg5[%swap3A_437, %swap3A_438], %add3A_435 {strides = array<i32>} : memref<16x2048xf32, #tpu.memory_space<vmem>>, vector<16xf32>,
      %add3A_440 = arith.addf %scan3A_174, %masked_cumsum3A_434 : vector<16xf32>
      %get3A_441 = arith.constant 14 : i32
      %get3A_442 = arith.index_cast %get3A_441 : i32 to index
      %get3A_443 = arith.index_cast %mul3A_178 : i32 to index
      %get3A_444 = tpu.vector_load %arg5[%get3A_442, %get3A_443] {strides = array<i32>} : memref<16x2048xf32, #tpu.memory_space<vmem>>, vector<16xf32>,
      %broadcast_in_dim3A_445 = arith.constant true
      %broadcast_in_dim3A_446 = vector.broadcast %broadcast_in_dim3A_445 : i1 to vector<16xi1>
      %masked_cumsum3A_447 = tpu.scan <sum>, %get3A_444 masked %broadcast_in_dim3A_446 : vector<16xf32>, vector<16xi1> -> vector<16xf32>
      %rev3A_448 = arith.constant 15 : i32
      %rev3A_449 = vector.broadcast %rev3A_448 : i32 to vector<16xi32>
      %rev3A_450 = tpu.iota {dimensions = array<i32: 0>} : vector<16xi32>
      %rev3A_451 = arith.subi %rev3A_449, %rev3A_450 : vector<16xi32>
      %rev3A_452 = tpu.dynamic_gather %masked_cumsum3A_447[%rev3A_451] in [0] : vector<16xf32>, vector<16xi32> -> vector<16xf32>
      %masked_cumsum3A_453 = tpu.scan <sum>, %rev3A_452 masked %eq3A_4 : vector<16xf32>, vector<16xi1> -> vector<16xf32>
      %add3A_454 = arith.addf %masked_cumsum3A_447, %scan3A_175 : vector<16xf32>
      %swap3A_455 = arith.constant 14 : i32
      %swap3A_456 = arith.index_cast %swap3A_455 : i32 to index
      %swap3A_457 = arith.index_cast %mul3A_178 : i32 to index
      %swap3A_458 = tpu.vector_load %arg5[%swap3A_456, %swap3A_457] {strides = array<i32>} : memref<16x2048xf32, #tpu.memory_space<vmem>>, vector<16xf32>,
      tpu.vector_store %arg5[%swap3A_456, %swap3A_457], %add3A_454 {strides = array<i32>} : memref<16x2048xf32, #tpu.memory_space<vmem>>, vector<16xf32>,
      %add3A_459 = arith.addf %scan3A_175, %masked_cumsum3A_453 : vector<16xf32>
      %get3A_460 = arith.constant 15 : i32
      %get3A_461 = arith.index_cast %get3A_460 : i32 to index
      %get3A_462 = arith.index_cast %mul3A_178 : i32 to index
      %get3A_463 = tpu.vector_load %arg5[%get3A_461, %get3A_462] {strides = array<i32>} : memref<16x2048xf32, #tpu.memory_space<vmem>>, vector<16xf32>,
      %broadcast_in_dim3A_464 = arith.constant true
      %broadcast_in_dim3A_465 = vector.broadcast %broadcast_in_dim3A_464 : i1 to vector<16xi1>
      %masked_cumsum3A_466 = tpu.scan <sum>, %get3A_463 masked %broadcast_in_dim3A_465 : vector<16xf32>, vector<16xi1> -> vector<16xf32>
      %rev3A_467 = arith.constant 15 : i32
      %rev3A_468 = vector.broadcast %rev3A_467 : i32 to vector<16xi32>
      %rev3A_469 = tpu.iota {dimensions = array<i32: 0>} : vector<16xi32>
      %rev3A_470 = arith.subi %rev3A_468, %rev3A_469 : vector<16xi32>
      %rev3A_471 = tpu.dynamic_gather %masked_cumsum3A_466[%rev3A_470] in [0] : vector<16xf32>, vector<16xi32> -> vector<16xf32>
      %masked_cumsum3A_472 = tpu.scan <sum>, %rev3A_471 masked %eq3A_4 : vector<16xf32>, vector<16xi1> -> vector<16xf32>
      %add3A_473 = arith.addf %masked_cumsum3A_466, %scan3A_176 : vector<16xf32>
      %swap3A_474 = arith.constant 15 : i32
      %swap3A_475 = arith.index_cast %swap3A_474 : i32 to index
      %swap3A_476 = arith.index_cast %mul3A_178 : i32 to index
      %swap3A_477 = tpu.vector_load %arg5[%swap3A_475, %swap3A_476] {strides = array<i32>} : memref<16x2048xf32, #tpu.memory_space<vmem>>, vector<16xf32>,
      tpu.vector_store %arg5[%swap3A_475, %swap3A_476], %add3A_473 {strides = array<i32>} : memref<16x2048xf32, #tpu.memory_space<vmem>>, vector<16xf32>,
      %add3A_478 = arith.addf %scan3A_176, %masked_cumsum3A_472 : vector<16xf32>
      scf.yield %add3A_193, %add3A_212, %add3A_231, %add3A_250, %add3A_269, %add3A_288, %add3A_307, %add3A_326, %add3A_345, %add3A_364, %add3A_383, %add3A_402, %add3A_421, %add3A_440, %add3A_459, %add3A_478 : vector<16xf32>, vector<16xf32>, vector<16xf32>, vector<16xf32>, vector<16xf32>, vector<16xf32>, vector<16xf32>, vector<16xf32>, vector<16xf32>, vector<16xf32>, vector<16xf32>, vector<16xf32>, vector<16xf32>, vector<16xf32>, vector<16xf32>, vector<16xf32>
    }
    %scan3A_132 = arith.constant 128 : i32
    %mul3A_133 = arith.constant 16 : i32
    %mul3A_134 = arith.muli %add3A_82, %mul3A_133 : i32
    %add3A_135 = arith.addi %mul3A_2, %mul3A_134 : i32
    %dma_start3A_136 = arith.constant 0 : i32
    %dma_start3A_137 = tpu.memref_slice %arg3[%add3A_135, %dma_start3A_136] : memref<1024x2048xf32, #tpu.memory_space<hbm>> -> memref<16x2048xf32, #tpu.memory_space<hbm>>
    %dma_start3A_138 = arith.constant 0 : i32
    %dma_start3A_139 = tpu.memref_slice %arg3[%add3A_135, %dma_start3A_138] : memref<1024x2048xf32, #tpu.memory_space<hbm>> -> memref<16x2048xf32, #tpu.memory_space<hbm>>
    tpu.enqueue_dma source(%arg5 : memref<16x2048xf32, #tpu.memory_space<vmem>>) target(%dma_start3A_139 : memref<16x2048xf32, #tpu.memory_space<hbm>>) target_semaphore(%arg9 : memref<!tpu.dma_semaphore, #tpu.memory_space<semaphore_mem>>)
    %add3A_140 = arith.constant 2 : i32
    %add3A_141 = arith.addi %add3A_82, %add3A_140 : i32
    %lt3A_142 = arith.constant 2 : i32
    %lt3A_143 = arith.cmpi slt, %add3A_141, %lt3A_142 : i32
    %convert_element_type3A_144 = arith.extui %lt3A_143 : i1 to i32
    %cond3A_145 = arith.constant 0 : i32
    %cond3A_146 = arith.cmpi ne, %convert_element_type3A_144, %cond3A_145 : i32
    scf.if %cond3A_146 {
      %add3A_160 = arith.constant 2 : i32
      %add3A_161 = arith.addi %add3A_82, %add3A_160 : i32
      %mul3A_162 = arith.constant 16 : i32
      %mul3A_163 = arith.muli %add3A_161, %mul3A_162 : i32
      %add3A_164 = arith.addi %mul3A_2, %mul3A_163 : i32
      %dma_start3A_165 = arith.constant 0 : i32
      %dma_start3A_166 = tpu.memref_slice %arg2[%add3A_164, %dma_start3A_165] : memref<16384x2048xf32, #tpu.memory_space<hbm>> -> memref<16x2048xf32, #tpu.memory_space<hbm>>
      %dma_start3A_167 = arith.constant 0 : i32
      %dma_start3A_168 = tpu.memref_slice %arg2[%add3A_164, %dma_start3A_167] : memref<16384x2048xf32, #tpu.memory_space<hbm>> -> memref<16x2048xf32, #tpu.memory_space<hbm>>
      tpu.enqueue_dma source(%dma_start3A_168 : memref<16x2048xf32, #tpu.memory_space<hbm>>) target(%arg5 : memref<16x2048xf32, #tpu.memory_space<vmem>>) target_semaphore(%arg7 : memref<!tpu.dma_semaphore, #tpu.memory_space<semaphore_mem>>)
    } else {
    }
    %scan3A_147 = arith.constant 1 : i32
    %add3A_148 = arith.constant 0 : i32
    %add3A_149 = arith.addi %mul3A_2, %add3A_148 : i32
    %dma_wait3A_150 = arith.constant 0 : i32
    %dma_wait3A_151 = tpu.memref_slice %arg3[%add3A_149, %dma_wait3A_150] : memref<1024x2048xf32, #tpu.memory_space<hbm>> -> memref<16x2048xf32, #tpu.memory_space<hbm>>
    %dma_wait3A_152 = arith.constant 0 : i32
    %dma_wait3A_153 = tpu.memref_slice %arg3[%add3A_149, %dma_wait3A_152] : memref<1024x2048xf32, #tpu.memory_space<hbm>> -> memref<16x2048xf32, #tpu.memory_space<hbm>>
    tpu.wait_dma2 semaphore(%arg8 : memref<!tpu.dma_semaphore, #tpu.memory_space<semaphore_mem>>) src(%arg4 : memref<16x2048xf32, #tpu.memory_space<vmem>>) dst(%dma_wait3A_153 : memref<16x2048xf32, #tpu.memory_space<hbm>>)
    %add3A_154 = arith.constant 16 : i32
    %add3A_155 = arith.addi %mul3A_2, %add3A_154 : i32
    %dma_wait3A_156 = arith.constant 0 : i32
    %dma_wait3A_157 = tpu.memref_slice %arg3[%add3A_155, %dma_wait3A_156] : memref<1024x2048xf32, #tpu.memory_space<hbm>> -> memref<16x2048xf32, #tpu.memory_space<hbm>>
    %dma_wait3A_158 = arith.constant 0 : i32
    %dma_wait3A_159 = tpu.memref_slice %arg3[%add3A_155, %dma_wait3A_158] : memref<1024x2048xf32, #tpu.memory_space<hbm>> -> memref<16x2048xf32, #tpu.memory_space<hbm>>
    tpu.wait_dma2 semaphore(%arg9 : memref<!tpu.dma_semaphore, #tpu.memory_space<semaphore_mem>>) src(%arg5 : memref<16x2048xf32, #tpu.memory_space<vmem>>) dst(%dma_wait3A_159 : memref<16x2048xf32, #tpu.memory_space<hbm>>)
    return
  }
}

module attributes {stable_mosaic.version = 14 : i64} {
  func.func @_tc_body(%arg0: i32, %arg1: memref<256x2048xf32, #tpu.memory_space<vmem>>, %arg2: memref<256x256xf32, #tpu.memory_space<vmem>>, %arg3: memref<256x2048xf32, #tpu.memory_space<vmem>>) attributes {dimension_semantics = [#tpu.dimension_semantics<arbitrary>], iteration_bounds = array<i64: 60>, scalar_prefetch = 0 : i64, scratch_operands = 0 : i64, tpu.core_type = #tpu.core_type<tc>, window_params = [{transform_indices = @transform_0, window_bounds = array<i64: 256, 2048>}, {pipeline_mode = #tpu.pipeline_mode<synchronous>, transform_indices = @transform_1, window_bounds = array<i64: 256, 256>}, {transform_indices = @transform_2, window_bounds = array<i64: 256, 2048>}]} {
    %get3A = arith.constant 0 : index
    %get3A_0 = arith.constant 0 : index
    %get3A_1 = vector.load %arg2[%get3A, %get3A_0] : memref<256x256xf32, #tpu.memory_space<vmem>>, vector<256x256xf32>
    %broadcast_in_dim3A = arith.constant 0.000000e+00 : f32
    %broadcast_in_dim3A_2 = vector.broadcast %broadcast_in_dim3A : f32 to vector<256x1xf32>
    %get3A_3 = arith.constant 0 : index
    %get3A_4 = arith.constant 0 : index
    %get3A_5 = vector.load %arg1[%get3A_3, %get3A_4] : memref<256x2048xf32, #tpu.memory_space<vmem>>, vector<256x256xf32>
    %dot_general3A = arith.constant dense<0.000000e+00> : vector<256x256xf32>
    %dot_general3A_6 = tpu.matmul %get3A_5, %get3A_1, %dot_general3A {dimension_numbers = #tpu.dot_dimension_numbers<[1], [0], [0], [1], [0, 0, 1, 1], [], []>, transpose_lhs_hint = false} : vector<256x256xf32>, vector<256x256xf32>, vector<256x256xf32> -> vector<256x256xf32>
    %add3A = vector.broadcast %broadcast_in_dim3A_2 : vector<256x1xf32> to vector<256x256xf32>
    %add3A_7 = arith.addf %dot_general3A_6, %add3A : vector<256x256xf32>
    %swap3A = arith.constant 0 : index
    %swap3A_8 = arith.constant 0 : index
    %swap3A_9 = vector.load %arg3[%swap3A, %swap3A_8] : memref<256x2048xf32, #tpu.memory_space<vmem>>, vector<256x256xf32>
    tpu.vector_store %arg3[%swap3A, %swap3A_8], %add3A_7 {strides = array<i32>} : memref<256x2048xf32, #tpu.memory_space<vmem>>, vector<256x256xf32>,
    %slice3A = vector.extract_strided_slice %add3A_7 {offsets = [0, 255], sizes = [256, 1], strides = [1, 1]} : vector<256x256xf32> to vector<256x1xf32>
    %get3A_10 = arith.constant 0 : index
    %get3A_11 = arith.constant 256 : index
    %get3A_12 = vector.load %arg1[%get3A_10, %get3A_11] : memref<256x2048xf32, #tpu.memory_space<vmem>>, vector<256x256xf32>
    %dot_general3A_13 = arith.constant dense<0.000000e+00> : vector<256x256xf32>
    %dot_general3A_14 = tpu.matmul %get3A_12, %get3A_1, %dot_general3A_13 {dimension_numbers = #tpu.dot_dimension_numbers<[1], [0], [0], [1], [0, 0, 1, 1], [], []>, transpose_lhs_hint = false} : vector<256x256xf32>, vector<256x256xf32>, vector<256x256xf32> -> vector<256x256xf32>
    %add3A_15 = vector.broadcast %slice3A : vector<256x1xf32> to vector<256x256xf32>
    %add3A_16 = arith.addf %dot_general3A_14, %add3A_15 : vector<256x256xf32>
    %swap3A_17 = arith.constant 0 : index
    %swap3A_18 = arith.constant 256 : index
    %swap3A_19 = vector.load %arg3[%swap3A_17, %swap3A_18] : memref<256x2048xf32, #tpu.memory_space<vmem>>, vector<256x256xf32>
    tpu.vector_store %arg3[%swap3A_17, %swap3A_18], %add3A_16 {strides = array<i32>} : memref<256x2048xf32, #tpu.memory_space<vmem>>, vector<256x256xf32>,
    %slice3A_20 = vector.extract_strided_slice %add3A_16 {offsets = [0, 255], sizes = [256, 1], strides = [1, 1]} : vector<256x256xf32> to vector<256x1xf32>
    %get3A_21 = arith.constant 0 : index
    %get3A_22 = arith.constant 512 : index
    %get3A_23 = vector.load %arg1[%get3A_21, %get3A_22] : memref<256x2048xf32, #tpu.memory_space<vmem>>, vector<256x256xf32>
    %dot_general3A_24 = arith.constant dense<0.000000e+00> : vector<256x256xf32>
    %dot_general3A_25 = tpu.matmul %get3A_23, %get3A_1, %dot_general3A_24 {dimension_numbers = #tpu.dot_dimension_numbers<[1], [0], [0], [1], [0, 0, 1, 1], [], []>, transpose_lhs_hint = false} : vector<256x256xf32>, vector<256x256xf32>, vector<256x256xf32> -> vector<256x256xf32>
    %add3A_26 = vector.broadcast %slice3A_20 : vector<256x1xf32> to vector<256x256xf32>
    %add3A_27 = arith.addf %dot_general3A_25, %add3A_26 : vector<256x256xf32>
    %swap3A_28 = arith.constant 0 : index
    %swap3A_29 = arith.constant 512 : index
    %swap3A_30 = vector.load %arg3[%swap3A_28, %swap3A_29] : memref<256x2048xf32, #tpu.memory_space<vmem>>, vector<256x256xf32>
    tpu.vector_store %arg3[%swap3A_28, %swap3A_29], %add3A_27 {strides = array<i32>} : memref<256x2048xf32, #tpu.memory_space<vmem>>, vector<256x256xf32>,
    %slice3A_31 = vector.extract_strided_slice %add3A_27 {offsets = [0, 255], sizes = [256, 1], strides = [1, 1]} : vector<256x256xf32> to vector<256x1xf32>
    %get3A_32 = arith.constant 0 : index
    %get3A_33 = arith.constant 768 : index
    %get3A_34 = vector.load %arg1[%get3A_32, %get3A_33] : memref<256x2048xf32, #tpu.memory_space<vmem>>, vector<256x256xf32>
    %dot_general3A_35 = arith.constant dense<0.000000e+00> : vector<256x256xf32>
    %dot_general3A_36 = tpu.matmul %get3A_34, %get3A_1, %dot_general3A_35 {dimension_numbers = #tpu.dot_dimension_numbers<[1], [0], [0], [1], [0, 0, 1, 1], [], []>, transpose_lhs_hint = false} : vector<256x256xf32>, vector<256x256xf32>, vector<256x256xf32> -> vector<256x256xf32>
    %add3A_37 = vector.broadcast %slice3A_31 : vector<256x1xf32> to vector<256x256xf32>
    %add3A_38 = arith.addf %dot_general3A_36, %add3A_37 : vector<256x256xf32>
    %swap3A_39 = arith.constant 0 : index
    %swap3A_40 = arith.constant 768 : index
    %swap3A_41 = vector.load %arg3[%swap3A_39, %swap3A_40] : memref<256x2048xf32, #tpu.memory_space<vmem>>, vector<256x256xf32>
    tpu.vector_store %arg3[%swap3A_39, %swap3A_40], %add3A_38 {strides = array<i32>} : memref<256x2048xf32, #tpu.memory_space<vmem>>, vector<256x256xf32>,
    %slice3A_42 = vector.extract_strided_slice %add3A_38 {offsets = [0, 255], sizes = [256, 1], strides = [1, 1]} : vector<256x256xf32> to vector<256x1xf32>
    %get3A_43 = arith.constant 0 : index
    %get3A_44 = arith.constant 1024 : index
    %get3A_45 = vector.load %arg1[%get3A_43, %get3A_44] : memref<256x2048xf32, #tpu.memory_space<vmem>>, vector<256x256xf32>
    %dot_general3A_46 = arith.constant dense<0.000000e+00> : vector<256x256xf32>
    %dot_general3A_47 = tpu.matmul %get3A_45, %get3A_1, %dot_general3A_46 {dimension_numbers = #tpu.dot_dimension_numbers<[1], [0], [0], [1], [0, 0, 1, 1], [], []>, transpose_lhs_hint = false} : vector<256x256xf32>, vector<256x256xf32>, vector<256x256xf32> -> vector<256x256xf32>
    %add3A_48 = vector.broadcast %slice3A_42 : vector<256x1xf32> to vector<256x256xf32>
    %add3A_49 = arith.addf %dot_general3A_47, %add3A_48 : vector<256x256xf32>
    %swap3A_50 = arith.constant 0 : index
    %swap3A_51 = arith.constant 1024 : index
    %swap3A_52 = vector.load %arg3[%swap3A_50, %swap3A_51] : memref<256x2048xf32, #tpu.memory_space<vmem>>, vector<256x256xf32>
    tpu.vector_store %arg3[%swap3A_50, %swap3A_51], %add3A_49 {strides = array<i32>} : memref<256x2048xf32, #tpu.memory_space<vmem>>, vector<256x256xf32>,
    %slice3A_53 = vector.extract_strided_slice %add3A_49 {offsets = [0, 255], sizes = [256, 1], strides = [1, 1]} : vector<256x256xf32> to vector<256x1xf32>
    %get3A_54 = arith.constant 0 : index
    %get3A_55 = arith.constant 1280 : index
    %get3A_56 = vector.load %arg1[%get3A_54, %get3A_55] : memref<256x2048xf32, #tpu.memory_space<vmem>>, vector<256x256xf32>
    %dot_general3A_57 = arith.constant dense<0.000000e+00> : vector<256x256xf32>
    %dot_general3A_58 = tpu.matmul %get3A_56, %get3A_1, %dot_general3A_57 {dimension_numbers = #tpu.dot_dimension_numbers<[1], [0], [0], [1], [0, 0, 1, 1], [], []>, transpose_lhs_hint = false} : vector<256x256xf32>, vector<256x256xf32>, vector<256x256xf32> -> vector<256x256xf32>
    %add3A_59 = vector.broadcast %slice3A_53 : vector<256x1xf32> to vector<256x256xf32>
    %add3A_60 = arith.addf %dot_general3A_58, %add3A_59 : vector<256x256xf32>
    %swap3A_61 = arith.constant 0 : index
    %swap3A_62 = arith.constant 1280 : index
    %swap3A_63 = vector.load %arg3[%swap3A_61, %swap3A_62] : memref<256x2048xf32, #tpu.memory_space<vmem>>, vector<256x256xf32>
    tpu.vector_store %arg3[%swap3A_61, %swap3A_62], %add3A_60 {strides = array<i32>} : memref<256x2048xf32, #tpu.memory_space<vmem>>, vector<256x256xf32>,
    %slice3A_64 = vector.extract_strided_slice %add3A_60 {offsets = [0, 255], sizes = [256, 1], strides = [1, 1]} : vector<256x256xf32> to vector<256x1xf32>
    %get3A_65 = arith.constant 0 : index
    %get3A_66 = arith.constant 1536 : index
    %get3A_67 = vector.load %arg1[%get3A_65, %get3A_66] : memref<256x2048xf32, #tpu.memory_space<vmem>>, vector<256x256xf32>
    %dot_general3A_68 = arith.constant dense<0.000000e+00> : vector<256x256xf32>
    %dot_general3A_69 = tpu.matmul %get3A_67, %get3A_1, %dot_general3A_68 {dimension_numbers = #tpu.dot_dimension_numbers<[1], [0], [0], [1], [0, 0, 1, 1], [], []>, transpose_lhs_hint = false} : vector<256x256xf32>, vector<256x256xf32>, vector<256x256xf32> -> vector<256x256xf32>
    %add3A_70 = vector.broadcast %slice3A_64 : vector<256x1xf32> to vector<256x256xf32>
    %add3A_71 = arith.addf %dot_general3A_69, %add3A_70 : vector<256x256xf32>
    %swap3A_72 = arith.constant 0 : index
    %swap3A_73 = arith.constant 1536 : index
    %swap3A_74 = vector.load %arg3[%swap3A_72, %swap3A_73] : memref<256x2048xf32, #tpu.memory_space<vmem>>, vector<256x256xf32>
    tpu.vector_store %arg3[%swap3A_72, %swap3A_73], %add3A_71 {strides = array<i32>} : memref<256x2048xf32, #tpu.memory_space<vmem>>, vector<256x256xf32>,
    %slice3A_75 = vector.extract_strided_slice %add3A_71 {offsets = [0, 255], sizes = [256, 1], strides = [1, 1]} : vector<256x256xf32> to vector<256x1xf32>
    %get3A_76 = arith.constant 0 : index
    %get3A_77 = arith.constant 1792 : index
    %get3A_78 = vector.load %arg1[%get3A_76, %get3A_77] : memref<256x2048xf32, #tpu.memory_space<vmem>>, vector<256x256xf32>
    %dot_general3A_79 = arith.constant dense<0.000000e+00> : vector<256x256xf32>
    %dot_general3A_80 = tpu.matmul %get3A_78, %get3A_1, %dot_general3A_79 {dimension_numbers = #tpu.dot_dimension_numbers<[1], [0], [0], [1], [0, 0, 1, 1], [], []>, transpose_lhs_hint = false} : vector<256x256xf32>, vector<256x256xf32>, vector<256x256xf32> -> vector<256x256xf32>
    %add3A_81 = vector.broadcast %slice3A_75 : vector<256x1xf32> to vector<256x256xf32>
    %add3A_82 = arith.addf %dot_general3A_80, %add3A_81 : vector<256x256xf32>
    %swap3A_83 = arith.constant 0 : index
    %swap3A_84 = arith.constant 1792 : index
    %swap3A_85 = vector.load %arg3[%swap3A_83, %swap3A_84] : memref<256x2048xf32, #tpu.memory_space<vmem>>, vector<256x256xf32>
    tpu.vector_store %arg3[%swap3A_83, %swap3A_84], %add3A_82 {strides = array<i32>} : memref<256x2048xf32, #tpu.memory_space<vmem>>, vector<256x256xf32>,
    return
  }
  func.func @transform_0(%arg0: i32) -> (i32, i32) {
    %add3A = arith.constant 4 : i32
    %add3A_0 = arith.addi %arg0, %add3A : i32
    %c0_i32 = arith.constant 0 : i32
    %c0_i32_1 = arith.constant 0 : i32
    return %add3A_0, %c0_i32 : i32, i32
  }
  func.func @transform_1(%arg0: i32) -> (i32, i32) {
    %c0_i32 = arith.constant 0 : i32
    %c0_i32_0 = arith.constant 0 : i32
    %c0_i32_1 = arith.constant 0 : i32
    return %c0_i32, %c0_i32_0 : i32, i32
  }
  func.func @transform_2(%arg0: i32) -> (i32, i32) {
    %add3A = arith.constant 4 : i32
    %add3A_0 = arith.addi %arg0, %add3A : i32
    %c0_i32 = arith.constant 0 : i32
    %c0_i32_1 = arith.constant 0 : i32
    return %add3A_0, %c0_i32 : i32, i32
  }
}

</mosaic_0001>

<sc_bundles>
// kernel: kernel.4.cloned.1.call-start
scs
__scs_entry_jumppad:
0x0: {  	(pc) =	sbr.rel $0x88, $3  }
0x1: {  	(tag) =	ssettag $0x0;
	lr =	simm.s32 $0x1  }
0x2: {  	[smem:$0x3FA0] =	sst lr;
	_ =	strace $0xD0000000  }
0x3: {  	_ = 	snop  }
0x4: {  	_ = 	snop  }
0x5: {  	_ = 	snop  }
0x6: {  	_ = 	snop  }
0x7: {  	_ = 	snop  }
__scs_overlays_trampoline_lowered:
0x8: {  	[smem:$0x3FAF] =	sst s0  }
0x9: {  	[smem:$0x3FB0] =	sst s1  }
0xa: {  	[smem:$0x3FB1] =	sst s2  }
0xb: {  	[smem:$0x3FB2] =	sst s3  }
0xc: {  	[smem:$0x3FB3] =	sst s4  }
0xd: {  	[smem:$0x3FB4] =	sst s5  }
0xe: {  	[smem:$0x3FB5] =	sst s6  }
0xf: {  	[smem:$0x3FB6] =	sst s7  }
0x10: {  	[smem:$0x3FB7] =	sst s8  }
0x11: {  	[smem:$0x3FB8] =	sst s9;
	s0 =	simm.s32 @!p0 $0x0  }
0x12: {  	s1 =	sld [smem:$0x3F9E];
	s0 =	simm.s32 @p0 $0x1  }
0x13: {  	[smem:$0x3FB9] =	sst s0;
	s0 =	simm.s32 @!p1 $0x0  }
0x14: {  	s2 =	sld [smem:$0x3F9D];
	s0 =	simm.s32 @p1 $0x1  }
0x15: {  	[smem:$0x3FBA] =	sst s0;
	s0 =	simm.s32 @!p2 $0x0  }
0x16: {  	s3 =	sld [smem:$0x3FDB];
	s0 =	simm.s32 @p2 $0x1  }
0x17: {  	s4 =	simm.s32 $0x1BF5;
	[smem:$0x3FBC] =	sst s0  }
0x18: {  	s0 =	sld [smem:$0x3F9F];
	_ =	swait.ge [sflag:s4], $0x0  }
0x19: {  	s7 =	sld [smem:$0x3FA0]  }
0x1a: {  	s8 =	sadd.s32 $0xFFFFE003, lr  }
0x1b: {  	s9 =	sadd.s32 $0xFFFFFEF7, lr;
	s5 =	simm.s32 $0xFFFFFFFF;
	p2 =	slt.u32 s8, $0xFFFFF086  }
0x1c: {  	p1 =	slt.u32 s9, $0xF7A;
	s5 =	simm.s32 @!p2 $0x0  }
0x1d: {  	s5 =	simm.s32 @p1 $0x1;
	p0 =	seq.s32 s7, s2  }
0x1e: {  	s7 =	smul.u32 @!p0 $0xF7A, s2;
	p2 =	seq.s32 @!p0 s5, $0x0  }
0x1f: {  	s9 =	smul.u32 $0xF7A, s1;
	s8 =	simm.s32 @!p0 $0x1BF5;
	p2 =	por !p2, p0  }
0x20: {  	[sflag:s8] =	ssyncset.s32 @!p0 $0xFFFFF086;
	s6 =	sadd.s32 @!p0 s3, s7;
	s7 =	simm.s32 @!p0 $0x108  }
0x21: {  	s3 =	sadd.s32 s3, s9;
	s6 =	sadd.s32 @!p0 $0x88, s6;
	s7 =	simm.s32 @p2 $0x1082  }
0x22: {  	[simem:s7], [sflag:s8] =	dma.local @!p0 [hbm:s6], $0xF7A  }
0x23: {  	s9 =	sor.u32 $0xD0000000, s2;
	s6 =	simm.s32 $0x108;
	_ =	swait.ge @!p0 [sflag:s8], $0x0  }
0x24: {  	s3 =	sadd.s32 $0x88, s3;
	s6 =	simm.s32 @!p1 $0x1082;
	[sflag:s4] =	ssyncset.s32 $0xFFFFF086  }
0x25: {  	[simem:s6], [sflag:s4] =	dma.local [hbm:s3], $0xF7A  }
0x26: {  	[smem:$0x3FA0] =	sst s1;
	(tag) =	ssettag s2;
	_ =	strace s9  }
0x27: {  	s1 =	sld [smem:$0x3FB0]  }
0x28: {  	s2 =	sld [smem:$0x3FB1]  }
0x29: {  	s4 =	sld [smem:$0x3FB3]  }
0x2a: {  	p0 =	seq.s32 s5, $0x0;
	s5 =	sld [smem:$0x3FB4]  }
0x2b: {  	s6 =	sld [smem:$0x3FB5]  }
0x2c: {  	s7 =	sld [smem:$0x3FB6]  }
0x2d: {  	s3 =	simm.s32 $0x108;
	s8 =	sld [smem:$0x3FB7]  }
0x2e: {  	s3 =	simm.s32 @!p0 $0x1082;
	s9 =	sld [smem:$0x3FB8]  }
0x2f: {  	lr =	sadd.s32 s0, s3;
	s0 =	sld [smem:$0x3FAF]  }
0x30: {  	s3 =	sld [smem:$0x3FB2]  }
0x31: {  	[smem:$0x3FBB] =	sst s10  }
0x32: {  	s10 =	sld [smem:$0x3FB9];
	_ =	sdelay $0x3  }
0x33: {  	p0 =	seq.s32 s10, $0x1;
	s10 =	sld [smem:$0x3FBB];
	_ =	sdelay $0x3  }
0x34: {  	[smem:$0x3FBB] =	sst s10  }
0x35: {  	s10 =	sld [smem:$0x3FBA];
	_ =	sdelay $0x3  }
0x36: {  	p1 =	seq.s32 s10, $0x1;
	s10 =	sld [smem:$0x3FBB];
	_ =	sdelay $0x3  }
0x37: {  	[smem:$0x3FBB] =	sst s10  }
0x38: {  	s10 =	sld [smem:$0x3FBC]  }
0x39: {  	_ = 	snop;
	(pc) =	sbr.ind lr, $3  }
0x3a: {  	_ = 	snop  }
0x3b: {  	_ = 	snop  }
0x3c: {  	p2 =	seq.s32 s10, $0x1;
	s10 =	sld [smem:$0x3FBB]  }
0x3d: {  	_ =	shalt  }
0x3e: {  	_ =	shalt  }
0x3f: {  	_ =	shalt  }
0x40: {  	_ =	shalt  }
0x41: {  	_ =	shalt  }
0x42: {  	_ =	shalt  }
0x43: {  	_ =	shalt  }
0x44: {  	_ =	shalt  }
0x45: {  	_ =	shalt  }
0x46: {  	_ =	shalt  }
0x47: {  	_ =	shalt  }
0x48: {  	_ =	shalt  }
0x49: {  	_ =	shalt  }
0x4a: {  	_ =	shalt  }
0x4b: {  	_ =	shalt  }
0x4c: {  	_ =	shalt  }
0x4d: {  	_ =	shalt  }
0x4e: {  	_ =	shalt  }
0x4f: {  	_ =	shalt  }
0x50: {  	_ =	shalt  }
0x51: {  	_ =	shalt  }
0x52: {  	_ =	shalt  }
0x53: {  	_ =	shalt  }
0x54: {  	_ =	shalt  }
0x55: {  	_ =	shalt  }
0x56: {  	_ =	shalt  }
0x57: {  	_ =	shalt  }
0x58: {  	_ =	shalt  }
0x59: {  	_ =	shalt  }
0x5a: {  	_ =	shalt  }
0x5b: {  	_ =	shalt  }
0x5c: {  	_ =	shalt  }
0x5d: {  	_ =	shalt  }
0x5e: {  	_ =	shalt  }
0x5f: {  	_ =	shalt  }
0x60: {  	_ =	shalt  }
0x61: {  	_ =	shalt  }
0x62: {  	_ =	shalt  }
0x63: {  	_ =	shalt  }
0x64: {  	_ =	shalt  }
0x65: {  	_ =	shalt  }
0x66: {  	_ =	shalt  }
0x67: {  	_ =	shalt  }
0x68: {  	_ =	shalt  }
0x69: {  	_ =	shalt  }
0x6a: {  	_ =	shalt  }
0x6b: {  	_ =	shalt  }
0x6c: {  	_ =	shalt  }
0x6d: {  	_ =	shalt  }
0x6e: {  	_ =	shalt  }
0x6f: {  	_ =	shalt  }
0x70: {  	_ =	shalt  }
0x71: {  	_ =	shalt  }
0x72: {  	_ =	shalt  }
0x73: {  	_ =	shalt  }
0x74: {  	_ =	shalt  }
0x75: {  	_ =	shalt  }
0x76: {  	_ =	shalt  }
0x77: {  	_ =	shalt  }
0x78: {  	_ =	shalt  }
0x79: {  	_ =	shalt  }
0x7a: {  	_ =	shalt  }
0x7b: {  	_ =	shalt  }
0x7c: {  	_ =	shalt  }
0x7d: {  	_ =	shalt  }
0x7e: {  	_ =	shalt  }
0x7f: {  	_ =	shalt  }
0x80: {  	_ =	shalt  }
0x81: {  	_ =	shalt  }
0x82: {  	_ =	shalt  }
0x83: {  	_ =	shalt  }
0x84: {  	_ =	shalt  }
0x85: {  	_ =	shalt  }
0x86: {  	_ =	shalt  }
0x87: {  	_ =	shalt  }
.Lfunc_end0:
.L_simem_size_0:
called_computation_lowered:
.L_overlay_start_0:
0x88: {  	s2 =	sld [smem:$0x3FD9]  }
0x89: {  	s3 =	sld [smem:$0x3FFE];
	_ =	sdelay $0x1  }
0x8a: {  	s1 =	srdreg.scid  }
0x8b: {  	s0 =	sand.u32 $0x1, s1  }
0x8c: {  	s17 =	sshll.u32 s0, $0xA;
	s2 =	sadd.s32 s3, s2  }
0x8d: {  	s2 =	sadd.s32 s2, s17  }
0x8e: {  	[smem:$0x3FC7] =	sst s2  }
0x8f: {  	_ = 	snop  }
0x90: {  	s2 =	sld [smem:$0x3FC9];
	(tm) =	ssettm $0x1  }
0x91: {  	s18 =	sld [smem:$0x3FFB];
	_ =	sdelay $0x3  }
0x92: {  	_ =	strace s18  }
0x93: {  	s3 =	sld [smem:$0x3FFC];
	_ =	sdelay $0x3  }
0x94: {  	_ =	strace s3  }
0x95: {  	s3 =	sld [smem:$0x3FFD];
	_ =	sdelay $0x3  }
0x96: {  	_ =	strace s3  }
0x97: {  	_ =	strace $0x8FFFFFFF  }
0x98: {  	s19 =	sld [smem:$0x3FDB];
	_ =	sdelay $0x1  }
0x99: {  	s4 =	simm.s32 $_scs_section_size  }
0x9a: {  	s5 =	simm.s32 $_size__tile_overlayer_lowered;
	s6 =	simm.s32 $_tile_overlayer_lowered  }
0x9b: {  	s22 =	simm.s32 $0x1BFF;
	s21 =	sshll.u32 s6, $0x1;
	s3 =	sadd.s32 s4, s19  }
0x9c: {  	s7 =	simm.s32 $0x0;
	s20 =	sshll.u32 s5, $0x1;
	s5 =	sadd.s32 s21, s3  }
0x9d: {  	[timem:s7], [sflag:s22] =	dma.local [hbm:s5], s20  }
0x9e: {  	_ =	swait.ge [sflag:s22], s20  }
0x9f: {  	s4 =	ssub.s32 $0x0, s20;
	[sflag:s22] =	ssyncset.done $0x0  }
0xa0: {  	[sflag:s22] =	ssyncadd.s32 s4;
	_ =	sdelay $0x1  }
0xa1: {  	s23 =	simm.s32 $0x1B8B  }
0xa2: {  	_ =	swait.ge [sflag:s23], $0x1  }
0xa3: {  	[sflag:s23] =	ssyncset.done $0x0  }
0xa4: {  	s25 =	simm.s32 $0x1B8E;
	s24 =	sld [smem:$0x3FFE];
	[sflag:s23] =	ssyncadd.s32 $0xFFFFFFFF  }
0xa5: {  	s26 =	simm.s32 $execute0_lowered;
	[smem:$0x3FD2] =	sst s25  }
0xa6: {  	s5 =	sshll.u32 s26, $0x1;
	_ =	strace $0x80000046;
	[dreg:$0x1] =	wrdreg $0xFFFFFFFF  }
0xa7: {  	s28 =	simm.s32 $_size_execute0_lowered;
	s3 =	sadd.s32 s3, s5;
	[dreg:$0x0] =	wrdreg $0x0  }
0xa8: {  	s5 =	sshll.u32 s28, $0x1;
	[dreg:$0x2] =	wrdreg s3  }
0xa9: {  	[dreg:$0x3] =	wrdreg s5  }
0xaa: {  	[dreg:$0x4] =	wrdreg $0xC0  }
0xab: {  	_ =	task [dreg:s7], $0x5FFFF  }
0xac: {  	[dreg:$0x1] =	wrdreg $0xFFFFFFFF  }
0xad: {  	[dreg:$0x0] =	wrdreg $0x60  }
0xae: {  	[dreg:$0x2] =	wrdreg s2  }
0xaf: {  	[dreg:$0x3] =	wrdreg s24  }
0xb0: {  	[dreg:$0x4] =	wrdreg $0x9  }
0xb1: {  	_ =	task.clear_ibuf [dreg:s7], $0x5FFFF;
	_ =	strace $0x90000046  }
0xb2: {  	s29 =	simm.s32 $0x9;
	_ =	strace $0x80000048  }
0xb3: {  	_ =	swait.ge [sflag:s29], $0x1  }
0xb4: {  	[sflag:s29] =	ssyncadd.s32 $0xFFFFFFFF  }
0xb5: {  	_ =	strace $0x90000048  }
0xb6: {  	_ =	sfence  }
0xb7: {  	s30 =	sld [smem:$0x0];
	_ =	sdelay $0x2  }
0xb8: {  	s31 =	sshll.u32 s1, $0xD;
	s1 =	sshrl.u32 s1, $0x2  }
0xb9: {  	s3 =	sand.u32 $0x4000, s31;
	s1 =	sadd.s32 s1, s30  }
0xba: {  	s0 =	sor.u32 s3, s0;
	s1 =	sshll.u32 s1, $0x11  }
0xbb: {  	s0 =	sor.u32 s1, s0  }
0xbc: {  	s0 =	sadd.s32 $0x8F2B, s0  }
0xbd: {  	[sflag:s0] =	ssyncadd.remote.s32 $0x1  }
0xbe: {  	_ =	sfence.sel $0xFFFF  }
0xbf: {  	[dreg:$0x0] =	wrdreg $0xFFFFFFFF;
	(pc) =	sbr.abs _section_cstart, $3  }
0xc0: {  	[dreg:$0x1] =	wrdreg $0xFFFFFFFF  }
0xc1: {  	_ =	task.clear_ibuf [dreg:s7], $0x2FFFF;
	_ =	strace $0x9FFFFFFF  }
0xc2: {  	(tm) =	ssettm $0x7FFFFFFF  }
0xc3: {  	_ =	shalt  }
tec
execute0_lowered:
.L_overlay_start_1:
0x0: {  	(tag) =	ssettag $0x1  }
0x1: {  	s4 =	rddreg [dreg:$0x0]  }
0x2: {  	s3 =	rddreg [dreg:$0x1]  }
0x3: {  	s0 =	rddreg [dreg:$0x2];
	s5 =	srdreg.scid  }
0x4: {  	s2 =	simm.s32 $0x0;
	s1 =	stileid.u32;
	s10 =	simm.s32 $0x2  }
0x5: {  	s11 =	simm.s32 $0x3;
	s12 =	simm.s32 $0x4;
	s13 =	simm.s32 $0x0  }
0x6: {  	s5 =	sand.u32 $0x1, s5;
	[smem:$0x7FF] =	sst s2;
	s6 =	sshll.u32 s1, $0xE  }
0x7: {  	s30 =	sadd.s32 $0x400, s3;
	s7 =	sshll.u32 s5, $0xD;
	s5 =	ssub.s32 $0x2, s5  }
0x8: {  	v0 =	vlaneseq.u32;
	_ =	strace $0x80000047;
	s6 =	sor.u32 s7, s6;
	s31 =	sshrl.u32 s5, $0x1  }
0x9: {  	v0 =	vmul.u32 $0xFFFFFFFF, v0;
	s8 =	sor.u32 $0x1000, s6;
	s9 =	ssub.s32 s5, s31;
	s3 =	sadd.s32 s4, s6  }
0xa: {  	s5 =	sadd.s32 s30, s6;
	s4 =	sadd.s32 s4, s8;
	s6 =	sadd.s32 s30, s8  }
0xb: {  	v0 =	vadd.s32 $0xF, v0;
	s7 =	smax.u32 s9, $0x1;
	s8 =	simm.s32 $0x8000;
	s9 =	simm.s32 $0x1  }
.LBB2_1:
0xc: {  	[tilespmem:s2], [sflag:$0x1] =	stream.linear.gather [hbm4b:s3+s2], $0x8000, $0x38;
	[tilespmem:$0x10000] =	vst v63  }
0xd: {  	_ = 	snop  }
0xe: {  	[tilespmem:s8], [sflag:$0x2] =	stream.linear.gather [hbm4b:s4+s2], $0x8000, $0x38;
	[tilespmem:$0x10000] =	vst v63  }
0xf: {  	_ =	swait.ge [sflag:s9], $0x8000  }
0x10: {  	s14 =	sand.u32 $0x70, s2;
	s15 =	sand.u32 $0x3C00, s2;
	[sflag:s9] =	ssyncset.done $0x0  }
0x11: {  	s14 =	sor.u32 s14, s15;
	[sflag:s9] =	ssyncadd.s32 $0xFFFF8000  }
0x12: {  	v1 =	vld [tilespmem:s14+$0x180]  }
0x13: {  	v2 =	vld [tilespmem:s14+$0x300]  }
0x14: {  	v3 =	vld [tilespmem:s14+$0x280]  }
0x15: {  	v4 =	vld [tilespmem:s14+$0x0]  }
0x16: {  	v5 =	vld [tilespmem:s14+$0x80]  }
0x17: {  	v6 =	vld [tilespmem:s14+$0x100];
	(xrf2) =	vadd.scan.msk.f32 $0xffff, v1  }
0x18: {  	(xrf2) =	vadd.scan.msk.f32 $0xffff, v2  }
0x19: {  	(xrf2) =	vadd.scan.msk.f32 $0xffff, v3  }
0x1a: {  	(xrf2) =	vadd.scan.msk.f32 $0xffff, v4  }
0x1b: {  	(xrf2) =	vadd.scan.msk.f32 $0xffff, v5  }
0x1c: {  	v1 =	vld [tilespmem:s14+$0x200];
	(xrf2) =	vadd.scan.msk.f32 $0xffff, v6;
	_ =	sdelay $0x4  }
0x1d: {  	(xrf2) =	vadd.scan.msk.f32 $0xffff, v1;
	v1, _, _ =	vpop (xrf2)  }
0x1e: {  	v2, _, _ =	vpop (xrf2)  }
0x1f: {  	v3, _, _ =	vpop (xrf2)  }
0x20: {  	v9 =	vimm.f32 $0.0e+00;
	v4, _, _ =	vpop (xrf2)  }
0x21: {  	v5 =	vadd.f32 v1, v9;
	v6, _, _ =	vpop (xrf2)  }
0x22: {  	v8, _, _ =	vpop (xrf2)  }
0x23: {  	[tilespmem:s14+$0x180] =	vst v5;
	v5 =	vadd.f32 v8, v9  }
0x24: {  	v7 =	vadd.f32 v2, v9;
	_ =	sdelay $0x1  }
0x25: {  	[tilespmem:s14+$0x300] =	vst v7;
	v7 =	vadd.f32 v6, v9  }
0x26: {  	[tilespmem:s14+$0x100] =	vst v5;
	v5, _, _ =	vpop (xrf2)  }
0x27: {  	[tilespmem:s14+$0x80] =	vst v7;
	v7 =	vadd.f32 v5, v9;
	_ =	sdelay $0x1  }
0x28: {  	[tilespmem:s14+$0x200] =	vst v7;
	v7 =	vperm.xlane v8, v0  }
0x29: {  	v5 =	vperm.xlane v5, v0  }
0x2a: {  	s31 =	sand.u32 $0x7, s2;
	v10 =	vadd.f32 v3, v9;
	v6 =	vperm.xlane v6, v0;
	(xrf2) =	vadd.scan.msk.f32 $0x1, v7  }
0x2b: {  	s15 =	sshll.u32 s31, $0x4;
	v11 =	vadd.f32 v4, v9;
	(xrf2) =	vadd.scan.msk.f32 $0x1, v5  }
0x2c: {  	s15 =	sadd.s32 $0x0, s15;
	[tilespmem:s14+$0x280] =	vst v10;
	(xrf2) =	vadd.scan.msk.f32 $0x1, v6  }
0x2d: {  	s18 =	sor.u32 $0x380, s15;
	[tilespmem:s14+$0x0] =	vst v11  }
0x2e: {  	v8 =	vld [tilespmem:s18+$0x0];
	_ =	sdelay $0x4  }
0x2f: {  	(xrf2) =	vadd.scan.msk.f32 $0xffff, v8  }
0x30: {  	v4 =	vperm.xlane v4, v0;
	v5, _, _ =	vpop (xrf2)  }
0x31: {  	v6, _, _ =	vpop (xrf2)  }
0x32: {  	v17 =	vperm.xlane v1, v0;
	v1 =	vperm.xlane v2, v0;
	v2, _, _ =	vpop (xrf2);
	(xrf2) =	vadd.scan.msk.f32 $0x1, v4;
	_ =	sdelay $0x2  }
0x33: {  	v13 =	vimm.f32 $0.0e+00;
	v14 =	vimm.f32 $0.0e+00;
	v15 =	vimm.f32 $0.0e+00;
	(xrf2) =	vadd.scan.msk.f32 $0x1, v1  }
0x34: {  	v16 =	vimm.f32 $0.0e+00;
	v3 =	vperm.xlane v3, v0;
	v7 =	vimm.f32 $0.0e+00  }
0x35: {  	v8 =	vimm.f32 $0.0e+00;
	v10 =	vadd.f32 v5, v9;
	v5 =	vimm.f32 $0.0e+00  }
0x36: {  	v11 =	vadd.f32 v6, v9;
	v4 =	vimm.f32 $0.0e+00;
	v6 =	vimm.f32 $0.0e+00;
	(xrf2) =	vadd.scan.msk.f32 $0x1, v3  }
0x37: {  	v12 =	vadd.f32 v2, v9;
	v1 =	vimm.f32 $0.0e+00;
	v2, _, _ =	vpop (xrf2);
	v3 =	vimm.f32 $0.0e+00  }
0x38: {  	s16 =	simm.s32 $0x0;
	s17 =	simm.s32 $0x0;
	s15 =	simm.s32 $0x10;
	v18 =	vperm.xlane v2, v0;
	v19 =	vadd.f32 v2, v9;
	v2 =	vimm.f32 $0.0e+00  }
.LBB2_2:
0x39: {  	p0 =	sne.s32 s15, $0x7F0;
	s16 =	sadd.s32 $0x80, s16;
	s17 =	sadd.s32 $0x1, s17  }
0x3a: {  	[tilespmem:s18+$0x0] =	vst v19;
	v19, _, _ =	vpop (xrf2);
	(xrf2) =	vadd.scan.msk.f32 $0x1, v18;
	s18 =	smov.u32 s15;
	s15 =	sadd.s32 $0x10, s15  }
0x3b: {  	v9 =	vadd.f32 v19, v9;
	v18 =	vld [tilespmem:s14+$0x4100]  }
0x3c: {  	v19 =	vld [tilespmem:s14+$0x4000]  }
0x3d: {  	v20 =	vld [tilespmem:s14+$0x4180];
	(xrf2) =	vadd.scan.msk.f32 $0x1, v17;
	v17, _, _ =	vpop (xrf2)  }
0x3e: {  	v13 =	vadd.f32 v17, v13;
	v17 =	vld [tilespmem:s14+$0x4200]  }
0x3f: {  	v21 =	vld [tilespmem:s14+$0x4300]  }
0x40: {  	v22 =	vld [tilespmem:s14+$0x4080];
	v23, _, _ =	vpop (xrf2);
	(xrf2) =	vadd.scan.msk.f32 $0xffff, v18  }
0x41: {  	v14 =	vadd.f32 v23, v14;
	v18 =	vld [tilespmem:s14+$0x4280]  }
0x42: {  	v23 =	vld [tilespmem:s14+$0x4380]  }
0x43: {  	(xrf2) =	vadd.scan.msk.f32 $0xffff, v17  }
0x44: {  	v17, _, _ =	vpop (xrf2)  }
0x45: {  	v15 =	vadd.f32 v17, v15  }
0x46: {  	(xrf2) =	vadd.scan.msk.f32 $0xffff, v19  }
0x47: {  	v17, _, _ =	vpop (xrf2)  }
0x48: {  	v16 =	vadd.f32 v17, v16  }
0x49: {  	(xrf2) =	vadd.scan.msk.f32 $0xffff, v20  }
0x4a: {  	v17, _, _ =	vpop (xrf2)  }
0x4b: {  	v19 =	vperm.xlane v17, v0;
	v20 =	vadd.f32 v17, v7;
	_ =	sdelay $0x1  }
0x4c: {  	[tilespmem:s14+$0x4100] =	vst v20;
	(xrf2) =	vadd.scan.msk.f32 $0x1, v19;
	v17, _, _ =	vpop (xrf2)  }
0x4d: {  	v19 =	vperm.xlane v17, v0;
	v20 =	vadd.f32 v17, v4;
	_ =	sdelay $0x1  }
0x4e: {  	[tilespmem:s14+$0x4200] =	vst v20;
	v17, _, _ =	vpop (xrf2);
	(xrf2) =	vadd.scan.msk.f32 $0x1, v19  }
0x4f: {  	v19 =	vperm.xlane v17, v0;
	v20 =	vadd.f32 v17, v5;
	_ =	sdelay $0x1  }
0x50: {  	[tilespmem:s14+$0x4000] =	vst v20;
	(xrf2) =	vadd.scan.msk.f32 $0x1, v19;
	v17, _, _ =	vpop (xrf2)  }
0x51: {  	v19 =	vperm.xlane v17, v0;
	v20 =	vadd.f32 v17, v2;
	_ =	sdelay $0x1  }
0x52: {  	[tilespmem:s14+$0x4180] =	vst v20;
	(xrf2) =	vadd.scan.msk.f32 $0x1, v19  }
0x53: {  	v17, _, _ =	vpop (xrf2)  }
0x54: {  	v7 =	vadd.f32 v17, v7  }
0x55: {  	(xrf2) =	vadd.scan.msk.f32 $0xffff, v21  }
0x56: {  	v17, _, _ =	vpop (xrf2)  }
0x57: {  	v4 =	vadd.f32 v17, v4  }
0x58: {  	(xrf2) =	vadd.scan.msk.f32 $0xffff, v18  }
0x59: {  	s19 =	sand.u32 $0x3C00, s16;
	s18 =	sand.u32 $0x70, s18;
	v17, _, _ =	vpop (xrf2)  }
0x5a: {  	s18 =	sor.u32 s18, s19;
	v5 =	vadd.f32 v17, v5  }
0x5b: {  	v17 =	vld [tilespmem:s18+$0x300];
	(xrf2) =	vadd.scan.msk.f32 $0xffff, v22  }
0x5c: {  	v18 =	vld [tilespmem:s18+$0x180];
	v19, _, _ =	vpop (xrf2)  }
0x5d: {  	v20 =	vld [tilespmem:s18+$0x280];
	v2 =	vadd.f32 v19, v2  }
0x5e: {  	v19 =	vld [tilespmem:s18+$0x0]  }
0x5f: {  	v21 =	vld [tilespmem:s18+$0x80];
	v22, _, _ =	vpop (xrf2)  }
0x60: {  	v24 =	vld [tilespmem:s18+$0x100];
	v25 =	vperm.xlane v22, v0;
	v22 =	vadd.f32 v22, v1  }
0x61: {  	v26 =	vld [tilespmem:s18+$0x200];
	(xrf2) =	vadd.scan.msk.f32 $0xffff, v18  }
0x62: {  	[tilespmem:s14+$0x4300] =	vst v22;
	v18, _, _ =	vpop (xrf2)  }
0x63: {  	v22 =	vperm.xlane v18, v0;
	v27 =	vadd.f32 v18, v8  }
0x64: {  	(xrf2) =	vadd.scan.msk.f32 $0xffff, v17  }
0x65: {  	[tilespmem:s14+$0x4280] =	vst v27;
	v18, _, _ =	vpop (xrf2)  }
0x66: {  	v17 =	vadd.f32 v18, v6;
	_ =	sdelay $0x1  }
0x67: {  	[tilespmem:s14+$0x4080] =	vst v17;
	(xrf2) =	vadd.scan.msk.f32 $0xffff, v23;
	_ =	sdelay $0x2  }
0x68: {  	v23, _, _ =	vpop (xrf2);
	(xrf2) =	vadd.scan.msk.f32 $0xffff, v20  }
0x69: {  	v17 =	vperm.xlane v23, v0;
	_ =	sdelay $0x1  }
0x6a: {  	(xrf2) =	vadd.scan.msk.f32 $0xffff, v19;
	v19, _, _ =	vpop (xrf2)  }
0x6b: {  	v20 =	vperm.xlane v19, v0;
	_ =	sdelay $0x1  }
0x6c: {  	(xrf2) =	vadd.scan.msk.f32 $0x1, v25  }
0x6d: {  	v25, _, _ =	vpop (xrf2)  }
0x6e: {  	v27 =	vperm.xlane v25, v0;
	v25 =	vadd.f32 v25, v3  }
0x6f: {  	(xrf2) =	vadd.scan.msk.f32 $0xffff, v21  }
0x70: {  	v28 =	vadd.f32 v23, v16;
	v23, _, _ =	vpop (xrf2);
	[tilespmem:s14+$0x4380] =	vst v25;
	s14 =	smov.u32 s18;
	_ =	sdelay $0x1  }
0x71: {  	[tilespmem:s14+$0x180] =	vst v28;
	(xrf2) =	vadd.scan.msk.f32 $0xffff, v24  }
0x72: {  	v21, _, _ =	vpop (xrf2)  }
0x73: {  	v24 =	vperm.xlane v21, v0  }
0x74: {  	(xrf2) =	vadd.scan.msk.f32 $0xffff, v26  }
0x75: {  	v25, _, _ =	vpop (xrf2)  }
0x76: {  	v1 =	vadd.f32 v25, v1  }
0x77: {  	(xrf2) =	vadd.scan.msk.f32 $0x1, v27  }
0x78: {  	v27 =	vadd.f32 v19, v13;
	v25, _, _ =	vpop (xrf2)  }
0x79: {  	v26 =	vperm.xlane v25, v0  }
0x7a: {  	[tilespmem:s14+$0x300] =	vst v27;
	(xrf2) =	vadd.scan.msk.f32 $0x1, v22  }
0x7b: {  	v19, _, _ =	vpop (xrf2)  }
0x7c: {  	v27 =	vperm.xlane v19, v0;
	_ =	sdelay $0x1  }
0x7d: {  	(xrf2) =	vadd.scan.msk.f32 $0x1, v27;
	v22, _, _ =	vpop (xrf2)  }
0x7e: {  	v29 =	vadd.f32 v19, v10;
	v27 =	vperm.xlane v22, v0;
	v22 =	vadd.f32 v22, v11  }
0x7f: {  	v28 =	vadd.f32 v23, v14  }
0x80: {  	v21 =	vadd.f32 v21, v9;
	v25 =	vadd.f32 v25, v12;
	[tilespmem:s14+$0x100] =	vst v29;
	(xrf2) =	vadd.scan.msk.f32 $0x1, v27;
	v19, _, _ =	vpop (xrf2)  }
0x81: {  	v27 =	vperm.xlane v18, v0;
	v3 =	vadd.f32 v19, v3  }
0x82: {  	s18 =	sand.u32 $0x7, s17;
	[tilespmem:s14+$0x80] =	vst v25  }
0x83: {  	s18 =	sshll.u32 s18, $0x4;
	[tilespmem:s14+$0x280] =	vst v28;
	(xrf2) =	vadd.scan.msk.f32 $0x1, v27;
	v18, _, _ =	vpop (xrf2)  }
0x84: {  	s18 =	sadd.s32 s18, s16;
	[tilespmem:s14+$0x0] =	vst v21;
	v8 =	vadd.f32 v18, v8  }
0x85: {  	s18 =	sor.u32 $0x380, s18;
	[tilespmem:s14+$0x200] =	vst v22  }
0x86: {  	v18 =	vld [tilespmem:s18+$0x0];
	(xrf2) =	vadd.scan.msk.f32 $0x1, v26  }
0x87: {  	v19, _, _ =	vpop (xrf2)  }
0x88: {  	v10 =	vadd.f32 v19, v10;
	_ =	sdelay $0x1  }
0x89: {  	v19, _, _ =	vpop (xrf2)  }
0x8a: {  	v11 =	vadd.f32 v19, v11;
	(xrf2) =	vadd.scan.msk.f32 $0xffff, v18;
	_ =	sdelay $0x1  }
0x8b: {  	v18, _, _ =	vpop (xrf2)  }
0x8c: {  	(xrf2) =	vadd.scan.msk.f32 $0x1, v24;
	v6 =	vadd.f32 v18, v6;
	_ =	sdelay $0x1  }
0x8d: {  	v18, _, _ =	vpop (xrf2)  }
0x8e: {  	v12 =	vadd.f32 v18, v12;
	(xrf2) =	vadd.scan.msk.f32 $0x1, v20  }
.Ltmp0:
0x8f: {  	v18 =	vperm.xlane v23, v0;
	(pc) =	sbr.rel @p0 .LBB2_2-.Ltmp0, $4  }
0x90: {  	_ = 	snop  }
0x91: {  	(xrf2) =	vadd.scan.msk.f32 $0x1, v18  }
0x92: {  	v19, _, _ =	vpop (xrf2)  }
0x93: {  	v18 =	vperm.xlane v19, v0;
	v19 =	vadd.f32 v19, v15  }
0x94: {  	_ = 	snop  }
0x95: {  	[tilespmem:s18+$0x0] =	vst v19  }
0x96: {  	v9 =	vld [tilespmem:s14+$0x4100]  }
0x97: {  	v10 =	vld [tilespmem:s14+$0x4200]  }
0x98: {  	v11 =	vld [tilespmem:s14+$0x4000]  }
0x99: {  	(xrf2) =	vadd.scan.msk.f32 $0x1, v18;
	v12 =	vld [tilespmem:s14+$0x4180]  }
0x9a: {  	(xrf2) =	vadd.scan.msk.f32 $0x1, v17  }
0x9b: {  	(xrf2) =	vadd.scan.msk.f32 $0xffff, v9  }
0x9c: {  	(xrf2) =	vadd.scan.msk.f32 $0xffff, v10  }
0x9d: {  	(xrf2) =	vadd.scan.msk.f32 $0xffff, v11  }
0x9e: {  	(xrf2) =	vadd.scan.msk.f32 $0xffff, v12;
	_ =	sdelay $0x1  }
0x9f: {  	v9, _, _ =	vpop (xrf2)  }
0xa0: {  	v9, _, _ =	vpop (xrf2)  }
0xa1: {  	v9, _, _ =	vpop (xrf2)  }
0xa2: {  	v9, _, _ =	vpop (xrf2)  }
0xa3: {  	v9, _, _ =	vpop (xrf2)  }
0xa4: {  	v9, _, _ =	vpop (xrf2)  }
0xa5: {  	v10 =	vperm.xlane v9, v0;
	v11, _, _ =	vpop (xrf2)  }
0xa6: {  	v12 =	vld [tilespmem:s14+$0x4300];
	v13 =	vperm.xlane v11, v0;
	v14, _, _ =	vpop (xrf2)  }
0xa7: {  	v15 =	vld [tilespmem:s14+$0x4280];
	(xrf2) =	vadd.scan.msk.f32 $0x1, v10;
	v10 =	vperm.xlane v14, v0;
	v16, _, _ =	vpop (xrf2)  }
0xa8: {  	v17 =	vld [tilespmem:s14+$0x4080];
	(xrf2) =	vadd.scan.msk.f32 $0x1, v13;
	v13 =	vperm.xlane v16, v0  }
0xa9: {  	v18 =	vld [tilespmem:s14+$0x4380];
	(xrf2) =	vadd.scan.msk.f32 $0x1, v10  }
0xaa: {  	(xrf2) =	vadd.scan.msk.f32 $0x1, v13  }
0xab: {  	(xrf2) =	vadd.scan.msk.f32 $0xffff, v12  }
0xac: {  	(xrf2) =	vadd.scan.msk.f32 $0xffff, v15  }
0xad: {  	(xrf2) =	vadd.scan.msk.f32 $0xffff, v17  }
0xae: {  	(xrf2) =	vadd.scan.msk.f32 $0xffff, v18;
	_ =	sdelay $0x2  }
0xaf: {  	v10, _, _ =	vpop (xrf2)  }
0xb0: {  	v10, _, _ =	vpop (xrf2)  }
0xb1: {  	v10, _, _ =	vpop (xrf2)  }
0xb2: {  	v10, _, _ =	vpop (xrf2)  }
0xb3: {  	v10, _, _ =	vpop (xrf2)  }
0xb4: {  	v12, _, _ =	vpop (xrf2)  }
0xb5: {  	v13, _, _ =	vpop (xrf2)  }
0xb6: {  	v15 =	vperm.xlane v10, v0;
	v17, _, _ =	vpop (xrf2)  }
0xb7: {  	v18 =	vperm.xlane v17, v0  }
0xb8: {  	v19 =	vperm.xlane v12, v0;
	(xrf2) =	vadd.scan.msk.f32 $0x1, v15  }
0xb9: {  	v15 =	vperm.xlane v13, v0;
	(xrf2) =	vadd.scan.msk.f32 $0x1, v18  }
0xba: {  	(xrf2) =	vadd.scan.msk.f32 $0x1, v19  }
0xbb: {  	v7 =	vadd.f32 v9, v7;
	(xrf2) =	vadd.scan.msk.f32 $0x1, v15  }
0xbc: {  	v4 =	vadd.f32 v11, v4  }
0xbd: {  	[tilespmem:s14+$0x4100] =	vst v7;
	v1 =	vadd.f32 v10, v1  }
0xbe: {  	[tilespmem:s14+$0x4200] =	vst v4;
	v2 =	vadd.f32 v16, v2  }
0xbf: {  	v5 =	vadd.f32 v14, v5;
	[tilespmem:s14+$0x4300] =	vst v1;
	v1 =	vadd.f32 v13, v6  }
0xc0: {  	[tilespmem:s14+$0x4180] =	vst v2;
	v2 =	vadd.f32 v12, v8  }
0xc1: {  	[tilespmem:s14+$0x4000] =	vst v5  }
0xc2: {  	[tilespmem:s14+$0x4280] =	vst v2;
	v2 =	vadd.f32 v17, v3;
	v3, _, _ =	vpop (xrf2)  }
0xc3: {  	[tilespmem:s14+$0x4080] =	vst v1;
	v1, _, _ =	vpop (xrf2)  }
0xc4: {  	s15 =	simm.s32 $0x0;
	[tilespmem:s14+$0x4380] =	vst v2;
	v1, _, _ =	vpop (xrf2)  }
0xc5: {  	[hbm4b:s5+s15] =	stream.linear.scatter [tilespmem:s15], [sflag:$0x3], $0x8000, $0x38;
	v1, _, _ =	vpop (xrf2);
	[tilespmem:$0x10000] =	vst v63  }
0xc6: {  	_ =	swait.ge [sflag:s10], $0x8000  }
0xc7: {  	s30 =	sand.u32 $0x70, s15;
	s16 =	sand.u32 $0x3C00, s15;
	[sflag:s10] =	ssyncset.done $0x0  }
0xc8: {  	s14 =	sor.u32 s30, s16;
	[sflag:s10] =	ssyncadd.s32 $0xFFFF8000  }
0xc9: {  	v1 =	vld [tilespmem:s14+$0x8180]  }
0xca: {  	v2 =	vld [tilespmem:s14+$0x8300]  }
0xcb: {  	v3 =	vld [tilespmem:s14+$0x8280]  }
0xcc: {  	v4 =	vld [tilespmem:s14+$0x8000]  }
0xcd: {  	v5 =	vld [tilespmem:s14+$0x8080]  }
0xce: {  	v6 =	vld [tilespmem:s14+$0x8100];
	(xrf2) =	vadd.scan.msk.f32 $0xffff, v1  }
0xcf: {  	(xrf2) =	vadd.scan.msk.f32 $0xffff, v2  }
0xd0: {  	(xrf2) =	vadd.scan.msk.f32 $0xffff, v3  }
0xd1: {  	(xrf2) =	vadd.scan.msk.f32 $0xffff, v4  }
0xd2: {  	(xrf2) =	vadd.scan.msk.f32 $0xffff, v5  }
0xd3: {  	v1 =	vld [tilespmem:s14+$0x8200];
	(xrf2) =	vadd.scan.msk.f32 $0xffff, v6;
	_ =	sdelay $0x4  }
0xd4: {  	(xrf2) =	vadd.scan.msk.f32 $0xffff, v1;
	v1, _, _ =	vpop (xrf2)  }
0xd5: {  	v2, _, _ =	vpop (xrf2)  }
0xd6: {  	v3, _, _ =	vpop (xrf2)  }
0xd7: {  	v9 =	vimm.f32 $0.0e+00;
	v4, _, _ =	vpop (xrf2)  }
0xd8: {  	v5 =	vadd.f32 v1, v9;
	v6, _, _ =	vpop (xrf2)  }
0xd9: {  	v8, _, _ =	vpop (xrf2)  }
0xda: {  	[tilespmem:s14+$0x8180] =	vst v5;
	v5 =	vadd.f32 v8, v9  }
0xdb: {  	v7 =	vadd.f32 v2, v9;
	_ =	sdelay $0x1  }
0xdc: {  	[tilespmem:s14+$0x8300] =	vst v7;
	v7 =	vadd.f32 v6, v9  }
0xdd: {  	[tilespmem:s14+$0x8100] =	vst v5;
	v5, _, _ =	vpop (xrf2)  }
0xde: {  	[tilespmem:s14+$0x8080] =	vst v7;
	v7 =	vadd.f32 v5, v9;
	_ =	sdelay $0x1  }
0xdf: {  	[tilespmem:s14+$0x8200] =	vst v7;
	v7 =	vperm.xlane v8, v0  }
0xe0: {  	v5 =	vperm.xlane v5, v0  }
0xe1: {  	s31 =	sand.u32 $0x7, s15;
	v10 =	vadd.f32 v3, v9;
	v6 =	vperm.xlane v6, v0;
	(xrf2) =	vadd.scan.msk.f32 $0x1, v7  }
0xe2: {  	s16 =	sshll.u32 s31, $0x4;
	v11 =	vadd.f32 v4, v9;
	(xrf2) =	vadd.scan.msk.f32 $0x1, v5  }
0xe3: {  	s16 =	sadd.s32 $0x0, s16;
	[tilespmem:s14+$0x8280] =	vst v10;
	(xrf2) =	vadd.scan.msk.f32 $0x1, v6  }
0xe4: {  	s18 =	sor.u32 $0x380, s16;
	[tilespmem:s14+$0x8000] =	vst v11  }
0xe5: {  	v8 =	vld [tilespmem:s18+$0x8000];
	_ =	sdelay $0x4  }
0xe6: {  	(xrf2) =	vadd.scan.msk.f32 $0xffff, v8  }
0xe7: {  	v4 =	vperm.xlane v4, v0;
	v5, _, _ =	vpop (xrf2)  }
0xe8: {  	v6, _, _ =	vpop (xrf2)  }
0xe9: {  	v17 =	vperm.xlane v1, v0;
	v1 =	vperm.xlane v2, v0;
	v2, _, _ =	vpop (xrf2);
	(xrf2) =	vadd.scan.msk.f32 $0x1, v4;
	_ =	sdelay $0x2  }
0xea: {  	v14 =	vimm.f32 $0.0e+00;
	v16 =	vimm.f32 $0.0e+00;
	v13 =	vimm.f32 $0.0e+00;
	(xrf2) =	vadd.scan.msk.f32 $0x1, v1  }
0xeb: {  	v15 =	vimm.f32 $0.0e+00;
	v7 =	vperm.xlane v3, v0;
	v3 =	vimm.f32 $0.0e+00  }
0xec: {  	v8 =	vimm.f32 $0.0e+00;
	v10 =	vadd.f32 v5, v9;
	v5 =	vimm.f32 $0.0e+00  }
0xed: {  	v11 =	vadd.f32 v6, v9;
	v6 =	vimm.f32 $0.0e+00;
	v4 =	vimm.f32 $0.0e+00;
	(xrf2) =	vadd.scan.msk.f32 $0x1, v7  }
0xee: {  	v12 =	vadd.f32 v2, v9;
	v1 =	vimm.f32 $0.0e+00;
	v2, _, _ =	vpop (xrf2);
	v7 =	vimm.f32 $0.0e+00  }
0xef: {  	s17 =	simm.s32 $0x0;
	s16 =	simm.s32 $0x10;
	v18 =	vperm.xlane v2, v0;
	v19 =	vadd.f32 v2, v9;
	v2 =	vimm.f32 $0.0e+00  }
.LBB2_4:
0xf0: {  	p0 =	sne.s32 s16, $0x7F0;
	s15 =	sadd.s32 $0x80, s15;
	s17 =	sadd.s32 $0x1, s17  }
0xf1: {  	[tilespmem:s18+$0x8000] =	vst v19;
	v19, _, _ =	vpop (xrf2);
	(xrf2) =	vadd.scan.msk.f32 $0x1, v18;
	s18 =	smov.u32 s16;
	s16 =	sadd.s32 $0x10, s16  }
0xf2: {  	v9 =	vadd.f32 v19, v9;
	v18 =	vld [tilespmem:s14+$0xC100]  }
0xf3: {  	v19 =	vld [tilespmem:s14+$0xC000]  }
0xf4: {  	v20 =	vld [tilespmem:s14+$0xC180];
	(xrf2) =	vadd.scan.msk.f32 $0x1, v17;
	v17, _, _ =	vpop (xrf2)  }
0xf5: {  	v13 =	vadd.f32 v17, v13;
	v17 =	vld [tilespmem:s14+$0xC200]  }
0xf6: {  	v21 =	vld [tilespmem:s14+$0xC300]  }
0xf7: {  	v22 =	vld [tilespmem:s14+$0xC080];
	v23, _, _ =	vpop (xrf2);
	(xrf2) =	vadd.scan.msk.f32 $0xffff, v18  }
0xf8: {  	v14 =	vadd.f32 v23, v14;
	v18 =	vld [tilespmem:s14+$0xC280]  }
0xf9: {  	v23 =	vld [tilespmem:s14+$0xC380]  }
0xfa: {  	(xrf2) =	vadd.scan.msk.f32 $0xffff, v17  }
0xfb: {  	v17, _, _ =	vpop (xrf2)  }
0xfc: {  	v15 =	vadd.f32 v17, v15  }
0xfd: {  	(xrf2) =	vadd.scan.msk.f32 $0xffff, v19  }
0xfe: {  	v17, _, _ =	vpop (xrf2)  }
0xff: {  	v16 =	vadd.f32 v17, v16  }
0x100: {  	(xrf2) =	vadd.scan.msk.f32 $0xffff, v20  }
0x101: {  	v17, _, _ =	vpop (xrf2)  }
0x102: {  	v19 =	vperm.xlane v17, v0;
	v20 =	vadd.f32 v17, v8;
	_ =	sdelay $0x1  }
0x103: {  	[tilespmem:s14+$0xC100] =	vst v20;
	(xrf2) =	vadd.scan.msk.f32 $0x1, v19;
	v17, _, _ =	vpop (xrf2)  }
0x104: {  	v19 =	vperm.xlane v17, v0;
	v20 =	vadd.f32 v17, v5;
	_ =	sdelay $0x1  }
0x105: {  	[tilespmem:s14+$0xC200] =	vst v20;
	v17, _, _ =	vpop (xrf2);
	(xrf2) =	vadd.scan.msk.f32 $0x1, v19  }
0x106: {  	v19 =	vperm.xlane v17, v0;
	v20 =	vadd.f32 v17, v6;
	_ =	sdelay $0x1  }
0x107: {  	[tilespmem:s14+$0xC000] =	vst v20;
	(xrf2) =	vadd.scan.msk.f32 $0x1, v19;
	v17, _, _ =	vpop (xrf2)  }
0x108: {  	v19 =	vperm.xlane v17, v0;
	v20 =	vadd.f32 v17, v3;
	_ =	sdelay $0x1  }
0x109: {  	[tilespmem:s14+$0xC180] =	vst v20;
	(xrf2) =	vadd.scan.msk.f32 $0x1, v19  }
0x10a: {  	v17, _, _ =	vpop (xrf2)  }
0x10b: {  	v8 =	vadd.f32 v17, v8  }
0x10c: {  	(xrf2) =	vadd.scan.msk.f32 $0xffff, v21  }
0x10d: {  	v17, _, _ =	vpop (xrf2)  }
0x10e: {  	v5 =	vadd.f32 v17, v5  }
0x10f: {  	(xrf2) =	vadd.scan.msk.f32 $0xffff, v18  }
0x110: {  	s19 =	sand.u32 $0x3C00, s15;
	s18 =	sand.u32 $0x70, s18;
	v17, _, _ =	vpop (xrf2)  }
0x111: {  	s18 =	sor.u32 s18, s19;
	v6 =	vadd.f32 v17, v6  }
0x112: {  	v17 =	vld [tilespmem:s18+$0x8300];
	(xrf2) =	vadd.scan.msk.f32 $0xffff, v22  }
0x113: {  	v18 =	vld [tilespmem:s18+$0x8180];
	v19, _, _ =	vpop (xrf2)  }
0x114: {  	v20 =	vld [tilespmem:s18+$0x8280];
	v3 =	vadd.f32 v19, v3  }
0x115: {  	v19 =	vld [tilespmem:s18+$0x8000]  }
0x116: {  	v21 =	vld [tilespmem:s18+$0x8080];
	v22, _, _ =	vpop (xrf2)  }
0x117: {  	v24 =	vld [tilespmem:s18+$0x8100];
	v25 =	vperm.xlane v22, v0;
	v22 =	vadd.f32 v22, v1  }
0x118: {  	v26 =	vld [tilespmem:s18+$0x8200];
	(xrf2) =	vadd.scan.msk.f32 $0xffff, v18  }
0x119: {  	[tilespmem:s14+$0xC300] =	vst v22;
	v18, _, _ =	vpop (xrf2)  }
0x11a: {  	v22 =	vperm.xlane v18, v0;
	v27 =	vadd.f32 v18, v7  }
0x11b: {  	(xrf2) =	vadd.scan.msk.f32 $0xffff, v17  }
0x11c: {  	[tilespmem:s14+$0xC280] =	vst v27;
	v18, _, _ =	vpop (xrf2)  }
0x11d: {  	v17 =	vadd.f32 v18, v4;
	_ =	sdelay $0x1  }
0x11e: {  	[tilespmem:s14+$0xC080] =	vst v17;
	(xrf2) =	vadd.scan.msk.f32 $0xffff, v23;
	_ =	sdelay $0x2  }
0x11f: {  	v23, _, _ =	vpop (xrf2);
	(xrf2) =	vadd.scan.msk.f32 $0xffff, v20  }
0x120: {  	v17 =	vperm.xlane v23, v0;
	_ =	sdelay $0x1  }
0x121: {  	(xrf2) =	vadd.scan.msk.f32 $0xffff, v19;
	v19, _, _ =	vpop (xrf2)  }
0x122: {  	v20 =	vperm.xlane v19, v0;
	_ =	sdelay $0x1  }
0x123: {  	(xrf2) =	vadd.scan.msk.f32 $0x1, v25  }
0x124: {  	v25, _, _ =	vpop (xrf2)  }
0x125: {  	v27 =	vperm.xlane v25, v0;
	v25 =	vadd.f32 v25, v2  }
0x126: {  	(xrf2) =	vadd.scan.msk.f32 $0xffff, v21  }
0x127: {  	v28 =	vadd.f32 v23, v16;
	v23, _, _ =	vpop (xrf2);
	[tilespmem:s14+$0xC380] =	vst v25;
	s14 =	smov.u32 s18;
	_ =	sdelay $0x1  }
0x128: {  	[tilespmem:s14+$0x8180] =	vst v28;
	(xrf2) =	vadd.scan.msk.f32 $0xffff, v24  }
0x129: {  	v21, _, _ =	vpop (xrf2)  }
0x12a: {  	v24 =	vperm.xlane v21, v0  }
0x12b: {  	(xrf2) =	vadd.scan.msk.f32 $0xffff, v26  }
0x12c: {  	v25, _, _ =	vpop (xrf2)  }
0x12d: {  	v1 =	vadd.f32 v25, v1  }
0x12e: {  	(xrf2) =	vadd.scan.msk.f32 $0x1, v27  }
0x12f: {  	v27 =	vadd.f32 v19, v13;
	v25, _, _ =	vpop (xrf2)  }
0x130: {  	v26 =	vperm.xlane v25, v0  }
0x131: {  	[tilespmem:s14+$0x8300] =	vst v27;
	(xrf2) =	vadd.scan.msk.f32 $0x1, v22  }
0x132: {  	v19, _, _ =	vpop (xrf2)  }
0x133: {  	v27 =	vperm.xlane v19, v0;
	_ =	sdelay $0x1  }
0x134: {  	(xrf2) =	vadd.scan.msk.f32 $0x1, v27;
	v22, _, _ =	vpop (xrf2)  }
0x135: {  	v29 =	vadd.f32 v19, v10;
	v27 =	vperm.xlane v22, v0;
	v22 =	vadd.f32 v22, v11  }
0x136: {  	v28 =	vadd.f32 v23, v14  }
0x137: {  	v21 =	vadd.f32 v21, v9;
	v25 =	vadd.f32 v25, v12;
	[tilespmem:s14+$0x8100] =	vst v29;
	(xrf2) =	vadd.scan.msk.f32 $0x1, v27;
	v19, _, _ =	vpop (xrf2)  }
0x138: {  	v27 =	vperm.xlane v18, v0;
	v2 =	vadd.f32 v19, v2  }
0x139: {  	s18 =	sand.u32 $0x7, s17;
	[tilespmem:s14+$0x8080] =	vst v25  }
0x13a: {  	s18 =	sshll.u32 s18, $0x4;
	[tilespmem:s14+$0x8280] =	vst v28;
	(xrf2) =	vadd.scan.msk.f32 $0x1, v27;
	v18, _, _ =	vpop (xrf2)  }
0x13b: {  	s18 =	sadd.s32 s18, s15;
	[tilespmem:s14+$0x8000] =	vst v21;
	v7 =	vadd.f32 v18, v7  }
0x13c: {  	s18 =	sor.u32 $0x380, s18;
	[tilespmem:s14+$0x8200] =	vst v22  }
0x13d: {  	v18 =	vld [tilespmem:s18+$0x8000];
	(xrf2) =	vadd.scan.msk.f32 $0x1, v26  }
0x13e: {  	v19, _, _ =	vpop (xrf2)  }
0x13f: {  	v10 =	vadd.f32 v19, v10;
	_ =	sdelay $0x1  }
0x140: {  	v19, _, _ =	vpop (xrf2)  }
0x141: {  	v11 =	vadd.f32 v19, v11;
	(xrf2) =	vadd.scan.msk.f32 $0xffff, v18;
	_ =	sdelay $0x1  }
0x142: {  	v18, _, _ =	vpop (xrf2)  }
0x143: {  	(xrf2) =	vadd.scan.msk.f32 $0x1, v24;
	v4 =	vadd.f32 v18, v4;
	_ =	sdelay $0x1  }
0x144: {  	v18, _, _ =	vpop (xrf2)  }
0x145: {  	v12 =	vadd.f32 v18, v12;
	(xrf2) =	vadd.scan.msk.f32 $0x1, v20  }
.Ltmp1:
0x146: {  	v18 =	vperm.xlane v23, v0;
	(pc) =	sbr.rel @p0 .LBB2_4-.Ltmp1, $4  }
0x147: {  	_ = 	snop  }
0x148: {  	(xrf2) =	vadd.scan.msk.f32 $0x1, v18  }
0x149: {  	v19, _, _ =	vpop (xrf2)  }
0x14a: {  	v18 =	vperm.xlane v19, v0;
	v19 =	vadd.f32 v19, v15  }
0x14b: {  	_ = 	snop  }
0x14c: {  	[tilespmem:s18+$0x8000] =	vst v19  }
0x14d: {  	v9 =	vld [tilespmem:s14+$0xC100]  }
0x14e: {  	v10 =	vld [tilespmem:s14+$0xC200]  }
0x14f: {  	v11 =	vld [tilespmem:s14+$0xC000]  }
0x150: {  	(xrf2) =	vadd.scan.msk.f32 $0x1, v18;
	v12 =	vld [tilespmem:s14+$0xC180]  }
0x151: {  	(xrf2) =	vadd.scan.msk.f32 $0x1, v17  }
0x152: {  	(xrf2) =	vadd.scan.msk.f32 $0xffff, v9  }
0x153: {  	(xrf2) =	vadd.scan.msk.f32 $0xffff, v10  }
0x154: {  	(xrf2) =	vadd.scan.msk.f32 $0xffff, v11  }
0x155: {  	(xrf2) =	vadd.scan.msk.f32 $0xffff, v12;
	_ =	sdelay $0x1  }
0x156: {  	v42, _, _ =	vpop (xrf2)  }
0x157: {  	v43, _, _ =	vpop (xrf2)  }
0x158: {  	v44, _, _ =	vpop (xrf2)  }
0x159: {  	v45, _, _ =	vpop (xrf2)  }
0x15a: {  	v46, _, _ =	vpop (xrf2)  }
0x15b: {  	v9, _, _ =	vpop (xrf2)  }
0x15c: {  	v47 =	vperm.xlane v9, v0;
	v48, _, _ =	vpop (xrf2)  }
0x15d: {  	v49 =	vld [tilespmem:s14+$0xC300];
	v13 =	vperm.xlane v48, v0;
	v14, _, _ =	vpop (xrf2)  }
0x15e: {  	v15 =	vld [tilespmem:s14+$0xC280];
	(xrf2) =	vadd.scan.msk.f32 $0x1, v47;
	v50 =	vperm.xlane v14, v0;
	v16, _, _ =	vpop (xrf2)  }
0x15f: {  	v51 =	vld [tilespmem:s14+$0xC080];
	(xrf2) =	vadd.scan.msk.f32 $0x1, v13;
	v52 =	vperm.xlane v16, v0  }
0x160: {  	v53 =	vld [tilespmem:s14+$0xC380];
	(xrf2) =	vadd.scan.msk.f32 $0x1, v50  }
0x161: {  	(xrf2) =	vadd.scan.msk.f32 $0x1, v52  }
0x162: {  	(xrf2) =	vadd.scan.msk.f32 $0xffff, v49  }
0x163: {  	(xrf2) =	vadd.scan.msk.f32 $0xffff, v15  }
0x164: {  	(xrf2) =	vadd.scan.msk.f32 $0xffff, v51  }
0x165: {  	(xrf2) =	vadd.scan.msk.f32 $0xffff, v53;
	_ =	sdelay $0x2  }
0x166: {  	v54, _, _ =	vpop (xrf2)  }
0x167: {  	v55, _, _ =	vpop (xrf2)  }
0x168: {  	v10, _, _ =	vpop (xrf2)  }
0x169: {  	v56, _, _ =	vpop (xrf2)  }
0x16a: {  	v10, _, _ =	vpop (xrf2)  }
0x16b: {  	v57, _, _ =	vpop (xrf2)  }
0x16c: {  	v58, _, _ =	vpop (xrf2)  }
0x16d: {  	v59 =	vperm.xlane v10, v0;
	v60, _, _ =	vpop (xrf2)  }
0x16e: {  	v61 =	vperm.xlane v60, v0  }
0x16f: {  	v62 =	vperm.xlane v57, v0;
	(xrf2) =	vadd.scan.msk.f32 $0x1, v59  }
0x170: {  	v63 =	vperm.xlane v58, v0;
	(xrf2) =	vadd.scan.msk.f32 $0x1, v61  }
0x171: {  	(xrf2) =	vadd.scan.msk.f32 $0x1, v62  }
0x172: {  	v8 =	vadd.f32 v9, v8;
	(xrf2) =	vadd.scan.msk.f32 $0x1, v63  }
0x173: {  	v3 =	vadd.f32 v16, v3  }
0x174: {  	[tilespmem:s14+$0xC100] =	vst v8;
	v1 =	vadd.f32 v10, v1  }
0x175: {  	v5 =	vadd.f32 v48, v5;
	[tilespmem:s14+$0xC180] =	vst v3;
	v3 =	vadd.f32 v57, v7  }
0x176: {  	v6 =	vadd.f32 v14, v6;
	[tilespmem:s14+$0xC300] =	vst v1;
	v1 =	vadd.f32 v58, v4  }
0x177: {  	[tilespmem:s14+$0xC200] =	vst v5  }
0x178: {  	[tilespmem:s14+$0xC000] =	vst v6  }
0x179: {  	[tilespmem:s14+$0xC280] =	vst v3;
	v2 =	vadd.f32 v60, v2;
	v3, _, _ =	vpop (xrf2)  }
0x17a: {  	[tilespmem:s14+$0xC080] =	vst v1;
	v1, _, _ =	vpop (xrf2)  }
0x17b: {  	s13 =	sadd.s32 $0x1, s13;
	[tilespmem:s14+$0xC380] =	vst v2;
	v1, _, _ =	vpop (xrf2)  }
0x17c: {  	[hbm4b:s6+s2] =	stream.linear.scatter [tilespmem:s8], [sflag:$0x4], $0x8000, $0x38;
	v1, _, _ =	vpop (xrf2);
	[tilespmem:$0x10000] =	vst v63  }
0x17d: {  	p0 =	sne.s32 s13, s7;
	_ =	swait.ge [sflag:s11], $0x8000  }
.Ltmp2:
0x17e: {  	[sflag:s11] =	ssyncset.done $0x0;
	(pc) =	sbr.rel @p0 .LBB2_1-.Ltmp2, $4  }
0x17f: {  	[sflag:s11] =	ssyncadd.s32 $0xFFFF8000  }
0x180: {  	_ =	swait.ge [sflag:s12], $0x8000  }
0x181: {  	[sflag:s12] =	ssyncset.done $0x0  }
0x182: {  	[sflag:s12] =	ssyncadd.s32 $0xFFFF8000  }
0x183: {  	_ =	sfence.sel $0x180000  }
0x184: {  	[bflag:$0x0] =	sbarrier.arrive $0xFFFF  }
0x185: {  	p0 =	sne.s32 s1, $0x0;
	_ =	strace $0x90000047  }
0x186: {  	s0 =	sadd.s32 @!p0 $0x100000, s0;
	[bflag:$0x2] =	sbarrier.arrive $0xFFFF  }
0x187: {  	[sflag:s0] =	ssyncadd.tile.s32 @!p0 $0x1;
	_ =	shalt  }
.Lfunc_end2:
_tile_overlayer_lowered:
.L_overlay_start_2:
0x188: {  	(tag) =	ssettag $0x2  }
0x189: {  	s0 =	rddreg [dreg:$0x0];
	s2 =	stileid.u32  }
0x18a: {  	s1 =	rddreg [dreg:$0x1];
	p0 =	sne.s32 s2, $0x0  }
0x18b: {  	s3 =	rddreg [dreg:$0x2];
	[bflag:$0x3] =	sbarrier.arrive $0xFFFF;
	s2 =	simm.s32 @!p0 $0x1C05  }
0x18c: {  	[timem:s3], [sflag:s2] =	dma.local @!p0 [hbm:s0], s1  }
0x18d: {  	s0 =	simm.s32 @!p0 $0x5  }
0x18e: {  	_ =	swait.ge @!p0 [sflag:s0], s1  }
0x18f: {  	s1 =	ssub.s32 @!p0 $0x0, s1;
	[sflag:s0] =	ssyncset.done @!p0 $0x0  }
0x190: {  	[sflag:s0] =	ssyncadd.s32 @!p0 s1  }
0x191: {  	[bflag:$0x3] =	sbarrier.arrive $0xFFFF  }
0x192: {  	_ =	shalt  }

</sc_bundles>
